<compile_context>
chip_gen: v7x
topology: tpu7x:2x2x1
jax: 0.10.2.dev20260603
libtpu: 0.0.44.dev20260713+nightly
codegen_flags: <defaults>
</compile_context>

<pallas_src>
import functools

import jax
import jax.numpy as jnp
from jax import lax
from jax.experimental import pallas as pl
from jax.experimental.pallas import tpu as pltpu
from jax.experimental.pallas import tpu_sc as plsc

_EMBED = 64
_NC = 2
_NS = 16
_NW = _NC * _NS
_IDXW = 128
_NBUF = 4


@functools.lru_cache(maxsize=None)
def _build(rows_total: int):
  b_per_w = rows_total // _NW
  n_chunks = b_per_w // _IDXW
  mesh = plsc.VectorSubcoreMesh(
      core_axis_name="c", subcore_axis_name="s",
      num_cores=_NC, num_subcores=_NS)

  @functools.partial(
      pl.kernel,
      out_type=jax.ShapeDtypeStruct((rows_total, 2 * _EMBED), jnp.float32),
      mesh=mesh,
      compiler_params=pltpu.CompilerParams(
          needs_layout_passes=False, disable_bounds_checks=True,
          skip_device_barrier=True),
      scratch_types=[
          pltpu.VMEM((n_chunks, _IDXW), jnp.int32),
          pltpu.VMEM((_IDXW, 2 * _EMBED), jnp.float32),
          pltpu.VMEM((_IDXW, 2 * _EMBED), jnp.float32),
          pltpu.VMEM((_IDXW, 2 * _EMBED), jnp.float32),
          pltpu.VMEM((_IDXW, 2 * _EMBED), jnp.float32),
          pltpu.SemaphoreType.DMA,
          pltpu.SemaphoreType.DMA,
          pltpu.SemaphoreType.DMA,
          pltpu.SemaphoreType.DMA,
          pltpu.SemaphoreType.DMA,
      ],
  )
  def emb(table_hbm, idx_hbm, out_hbm, idx_v, rows0, rows1, rows2, rows3,
          gsem, osem0, osem1, osem2, osem3):
    wid = lax.axis_index("s") * _NC + lax.axis_index("c")
    out_base = wid * b_per_w
    pltpu.sync_copy(idx_hbm.at[wid], idx_v)

    rbufs = (rows0, rows1, rows2, rows3)
    osems = (osem0, osem1, osem2, osem3)

    def fire(g, p):
      pltpu.async_copy(table_hbm.at[idx_v.at[g]], rbufs[p], gsem)

    def step(g, p, has_next, reused):
      rows_buf, osem = rbufs[p], osems[p]
      pltpu.make_async_copy(
          table_hbm.at[idx_v.at[g]], rows_buf, gsem).wait()

      np_ = (p + 2) % _NBUF

      @pl.when(reused & has_next)
      def _():
        pltpu.make_async_copy(
            rbufs[np_], out_hbm.at[pl.ds(0, _IDXW), :], osems[np_]).wait()

      @pl.when(has_next)
      def _():
        fire(g + 2, np_)

      any_zero = None
      for i in range(_IDXW // 16):
        v = idx_v[g, pl.ds(i * 16, 16)]
        zm = v == 0
        any_zero = zm if any_zero is None else (any_zero | zm)

      @pl.when(plsc.all_reduce_population_count(any_zero)[0] > 0)
      def _():
        def fix_group(gi, carry):
          v = idx_v[g, pl.ds(gi * 16, 16)]
          zm = v == 0
          rowids = gi * 16 + lax.iota(jnp.int32, 16)

          @pl.when(plsc.all_reduce_population_count(zm)[0] > 0)
          def _():
            def fix_col(col, inner):
              plsc.store_scatter(
                  rows_buf,
                  [rowids, jnp.zeros((16,), jnp.int32) + col],
                  jnp.zeros((16,), jnp.float32),
                  mask=zm)
              return inner
            lax.fori_loop(0, _EMBED, fix_col, 0)
          return carry
        lax.fori_loop(0, _IDXW // 16, fix_group, 0)

      pltpu.async_copy(
          rows_buf, out_hbm.at[pl.ds(out_base + g * _IDXW, _IDXW), :], osem)

    fire(0, 0)
    fire(1, 1)

    @pl.loop(0, n_chunks // _NBUF)
    def _rounds(g4):
      for p in range(_NBUF):
        g = _NBUF * g4 + p
        has_next = (g4 < n_chunks // _NBUF - 1) | (p < 2)
        reused = (g4 > 0) | (p >= 2)
        step(g, p, has_next, reused)

    for p in range(_NBUF):
      pltpu.make_async_copy(
          rbufs[p], out_hbm.at[pl.ds(0, _IDXW), :], osems[p]).wait()

  return emb


@jax.jit
def kernel(table, input):
  b, s = input.shape
  rows_total = b * s
  table_p = jnp.pad(table, ((0, 0), (0, 2 * _EMBED - table.shape[1])))
  idx = input.reshape(_NW, rows_total // (_NW * _IDXW), _IDXW).astype(
      jnp.int32)
  out = _build(rows_total)(table_p, idx)
  return out[:, :_EMBED].reshape(b, s, _EMBED)

# --- scband reference (transcript-rebuilt; emitter-appended) ---
"""Pipeline reference for scband-embedding-layer-89472758710961 (READ-ONLY COPY).

The authoritative reference and input builder live on the scoring server;
editing this copy changes nothing except your own understanding.
"""

import jax, jax.numpy as jnp
import numpy as np

VOCAB = 1000000
EMBED = 64
BATCH = 4096
SEQ = 200
PADDING_IDX = 0
DROPOUT_P = 0.0  # eval-mode / p=0 -> identity, matching deterministic reference


def setup_inputs(seed: int = 0) -> dict:
    key = jax.random.key(seed)
    k1, k2 = jax.random.split(key)
    input_ids = jax.random.randint(k1, (BATCH, SEQ), 0, VOCAB, dtype=jnp.int64 if jax.config.jax_enable_x64 else jnp.int32)
    table = jax.random.normal(k2, (VOCAB, EMBED), dtype=jnp.float32)
    return {"table": table, "input": input_ids}


def reference(table, input):
    # nn.Embedding with padding_idx=0: row 0 contributes zeros
    pad_mask = (jnp.arange(table.shape[0]) != PADDING_IDX).astype(table.dtype)[:, None]
    masked_table = table * pad_mask
    # embedding lookup (gather)
    emb = jnp.take(masked_table, input, axis=0)  # [B, S, D]
    # InputVariationalDropout with p=0 (or eval mode): mask of ones -> identity
    ones_mask = jnp.ones((emb.shape[0], emb.shape[-1]), dtype=emb.dtype)
    out = ones_mask[:, None, :] * emb
    return out

if __name__ == "__main__":
    import jax
    _d = setup_inputs()
    print(jax.jit(kernel)(*tuple(_d.values())))

</pallas_src>

<mosaic_0001>
#map = affine_map<(d0, d1) -> (0, 0)>
#map1 = affine_map<(d0, d1) -> (0, 0, 0)>
module attributes {stable_mosaic.version = 14 : i64} {
  func.func @emb(%arg0: i32, %arg1: i32, %arg2: memref<1000000x128xf32, #tpu.memory_space<hbm>>, %arg3: memref<32x200x128xi32, #tpu.memory_space<hbm>>, %arg4: memref<819200x128xf32, #tpu.memory_space<hbm>>, %arg5: memref<200x128xi32, #tpu.memory_space<vmem>>, %arg6: memref<128x128xf32, #tpu.memory_space<vmem>>, %arg7: memref<128x128xf32, #tpu.memory_space<vmem>>, %arg8: memref<128x128xf32, #tpu.memory_space<vmem>>, %arg9: memref<128x128xf32, #tpu.memory_space<vmem>>, %arg10: memref<!tpu.dma_semaphore, #tpu.memory_space<semaphore_mem>>, %arg11: memref<!tpu.dma_semaphore, #tpu.memory_space<semaphore_mem>>, %arg12: memref<!tpu.dma_semaphore, #tpu.memory_space<semaphore_mem>>, %arg13: memref<!tpu.dma_semaphore, #tpu.memory_space<semaphore_mem>>, %arg14: memref<!tpu.dma_semaphore, #tpu.memory_space<semaphore_mem>>) attributes {dimension_semantics = [#tpu.dimension_semantics<core_parallel>, #tpu.dimension_semantics<subcore_parallel>], iteration_bounds = array<i64: 2, 16>, scalar_prefetch = 0 : i64, scratch_operands = 10 : i64, tpu.core_type = #tpu.core_type<sc_vector_subcore>, window_params = [{transform_indices = #map}, {transform_indices = #map1}, {transform_indices = #map}]} {
    %mul3A = arith.constant 2 : i32
    %mul3A_0 = arith.muli %arg1, %mul3A : i32
    %add3A = arith.addi %mul3A_0, %arg0 : i32
    %mul3A_1 = arith.constant 25600 : i32
    %mul3A_2 = arith.muli %add3A, %mul3A_1 : i32
    "tpu.region"() ({
      %run_scoped3A = tpu.sem_alloc : memref<!tpu.dma_semaphore, #tpu.memory_space<semaphore_mem>>
      %dma_start3A_43 = arith.constant 0 : i32
      %dma_start3A_44 = arith.constant 0 : i32
      %dma_start3A_45 = tpu.memref_slice %arg3[%add3A, %dma_start3A_43, %dma_start3A_44] : memref<32x200x128xi32, #tpu.memory_space<hbm>> -> memref<1x200x128xi32, #tpu.memory_space<hbm>>
      %dma_start3A_46 = tpu.memref_squeeze %dma_start3A_45 : memref<1x200x128xi32, #tpu.memory_space<hbm>> -> memref<200x128xi32, #tpu.memory_space<hbm>>
      %dma_start3A_47 = arith.constant 0 : i32
      %dma_start3A_48 = arith.constant 0 : i32
      %dma_start3A_49 = tpu.memref_slice %arg3[%add3A, %dma_start3A_47, %dma_start3A_48] : memref<32x200x128xi32, #tpu.memory_space<hbm>> -> memref<1x200x128xi32, #tpu.memory_space<hbm>>
      %dma_start3A_50 = tpu.memref_squeeze %dma_start3A_49 : memref<1x200x128xi32, #tpu.memory_space<hbm>> -> memref<200x128xi32, #tpu.memory_space<hbm>>
      tpu.enqueue_dma source(%dma_start3A_50 : memref<200x128xi32, #tpu.memory_space<hbm>>) target(%arg5 : memref<200x128xi32, #tpu.memory_space<vmem>>) target_semaphore(%run_scoped3A : memref<!tpu.dma_semaphore, #tpu.memory_space<semaphore_mem>>)
      %dma_wait3A_51 = arith.constant 0 : i32
      %dma_wait3A_52 = arith.constant 0 : i32
      %dma_wait3A_53 = tpu.memref_slice %arg3[%add3A, %dma_wait3A_51, %dma_wait3A_52] : memref<32x200x128xi32, #tpu.memory_space<hbm>> -> memref<1x200x128xi32, #tpu.memory_space<hbm>>
      %dma_wait3A_54 = tpu.memref_squeeze %dma_wait3A_53 : memref<1x200x128xi32, #tpu.memory_space<hbm>> -> memref<200x128xi32, #tpu.memory_space<hbm>>
      %dma_wait3A_55 = arith.constant 0 : i32
      %dma_wait3A_56 = arith.constant 0 : i32
      %dma_wait3A_57 = tpu.memref_slice %arg3[%add3A, %dma_wait3A_55, %dma_wait3A_56] : memref<32x200x128xi32, #tpu.memory_space<hbm>> -> memref<1x200x128xi32, #tpu.memory_space<hbm>>
      %dma_wait3A_58 = tpu.memref_squeeze %dma_wait3A_57 : memref<1x200x128xi32, #tpu.memory_space<hbm>> -> memref<200x128xi32, #tpu.memory_space<hbm>>
      tpu.wait_dma2 semaphore(%run_scoped3A : memref<!tpu.dma_semaphore, #tpu.memory_space<semaphore_mem>>) src(%dma_wait3A_58 : memref<200x128xi32, #tpu.memory_space<hbm>>) dst(%arg5 : memref<200x128xi32, #tpu.memory_space<vmem>>)
      tpu.yield
    }) : () -> ()
    %dma_start3A = arith.constant 0 : i32
    %dma_start3A_3 = arith.constant 0 : i32
    %dma_start3A_4 = tpu.memref_slice %arg5[%dma_start3A, %dma_start3A_3] : memref<200x128xi32, #tpu.memory_space<vmem>> -> memref<1x128xi32, #tpu.memory_space<vmem>>
    %dma_start3A_5 = tpu.memref_squeeze %dma_start3A_4 : memref<1x128xi32, #tpu.memory_space<vmem>> -> memref<128xi32, #tpu.memory_space<vmem>>
    %dma_start3A_6 = arith.constant 0 : i32
    %dma_start3A_7 = arith.constant 0 : i32
    %dma_start3A_8 = tpu.memref_slice %arg2[%dma_start3A_6, %dma_start3A_7] : memref<1000000x128xf32, #tpu.memory_space<hbm>> -> memref<1000000x128xf32, #tpu.memory_space<hbm>>
    tpu.enqueue_indirect_dma source(%dma_start3A_8 : memref<1000000x128xf32, #tpu.memory_space<hbm>>) target(%arg6 : memref<128x128xf32, #tpu.memory_space<vmem>>) offsets(%dma_start3A_5 : memref<128xi32, #tpu.memory_space<vmem>>) semaphore(%arg10 : memref<!tpu.dma_semaphore, #tpu.memory_space<semaphore_mem>>)
    %dma_start3A_9 = arith.constant 1 : i32
    %dma_start3A_10 = arith.constant 0 : i32
    %dma_start3A_11 = tpu.memref_slice %arg5[%dma_start3A_9, %dma_start3A_10] : memref<200x128xi32, #tpu.memory_space<vmem>> -> memref<1x128xi32, #tpu.memory_space<vmem>>
    %dma_start3A_12 = tpu.memref_squeeze %dma_start3A_11 : memref<1x128xi32, #tpu.memory_space<vmem>> -> memref<128xi32, #tpu.memory_space<vmem>>
    %dma_start3A_13 = arith.constant 0 : i32
    %dma_start3A_14 = arith.constant 0 : i32
    %dma_start3A_15 = tpu.memref_slice %arg2[%dma_start3A_13, %dma_start3A_14] : memref<1000000x128xf32, #tpu.memory_space<hbm>> -> memref<1000000x128xf32, #tpu.memory_space<hbm>>
    tpu.enqueue_indirect_dma source(%dma_start3A_15 : memref<1000000x128xf32, #tpu.memory_space<hbm>>) target(%arg7 : memref<128x128xf32, #tpu.memory_space<vmem>>) offsets(%dma_start3A_12 : memref<128xi32, #tpu.memory_space<vmem>>) semaphore(%arg10 : memref<!tpu.dma_semaphore, #tpu.memory_space<semaphore_mem>>)
    %scan3A = arith.constant 0 : i32
    %scan3A_16 = arith.constant 50 : i32
    %scan3A_17 = arith.addi %scan3A, %scan3A_16 : i32
    %scan3A_18 = arith.constant 1 : i32
    scf.for %scan3A_43 = %scan3A to %scan3A_17 step %scan3A_18  : i32 {
      %mul3A_44 = arith.constant 1 : i32
      %mul3A_45 = arith.muli %scan3A_43, %mul3A_44 : i32
      %add3A_46 = arith.constant 0 : i32
      %add3A_47 = arith.addi %add3A_46, %mul3A_45 : i32
      %mul3A_48 = arith.constant 4 : i32
      %mul3A_49 = arith.muli %mul3A_48, %add3A_47 : i32
      %add3A_50 = arith.constant 0 : i32
      %add3A_51 = arith.addi %mul3A_49, %add3A_50 : i32
      %lt3A = arith.constant 49 : i32
      %lt3A_52 = arith.cmpi slt, %add3A_47, %lt3A : i32
      %or3A = arith.constant true
      %or3A_53 = arith.ori %lt3A_52, %or3A : i1
      %gt3A = arith.constant 0 : i32
      %gt3A_54 = arith.cmpi sgt, %add3A_47, %gt3A : i32
      %or3A_55 = arith.constant false
      %or3A_56 = arith.ori %gt3A_54, %or3A_55 : i1
      %dma_wait3A_57 = arith.constant 0 : i32
      %dma_wait3A_58 = tpu.memref_slice %arg5[%add3A_51, %dma_wait3A_57] : memref<200x128xi32, #tpu.memory_space<vmem>> -> memref<1x128xi32, #tpu.memory_space<vmem>>
      %dma_wait3A_59 = tpu.memref_squeeze %dma_wait3A_58 : memref<1x128xi32, #tpu.memory_space<vmem>> -> memref<128xi32, #tpu.memory_space<vmem>>
      %dma_wait3A_60 = arith.constant 0 : i32
      %dma_wait3A_61 = arith.constant 0 : i32
      %dma_wait3A_62 = tpu.memref_slice %arg2[%dma_wait3A_60, %dma_wait3A_61] : memref<1000000x128xf32, #tpu.memory_space<hbm>> -> memref<1000000x128xf32, #tpu.memory_space<hbm>>
      tpu.wait_indirect_dma semaphore(%arg10 : memref<!tpu.dma_semaphore, #tpu.memory_space<semaphore_mem>>) src(%dma_wait3A_62 : memref<1000000x128xf32, #tpu.memory_space<hbm>>) dst(%arg6 : memref<128x128xf32, #tpu.memory_space<vmem>>)
      %and3A = arith.andi %or3A_56, %or3A_53 : i1
      %convert_element_type3A = arith.extui %and3A : i1 to i32
      %cond3A = arith.constant 0 : i32
      %cond3A_63 = arith.cmpi ne, %convert_element_type3A, %cond3A : i32
      scf.if %cond3A_63 {
        %dma_wait3A_417 = arith.constant 0 : i32
        %dma_wait3A_418 = arith.constant 0 : i32
        %dma_wait3A_419 = tpu.memref_slice %arg4[%dma_wait3A_417, %dma_wait3A_418] : memref<819200x128xf32, #tpu.memory_space<hbm>> -> memref<128x128xf32, #tpu.memory_space<hbm>>
        %dma_wait3A_420 = arith.constant 0 : i32
        %dma_wait3A_421 = arith.constant 0 : i32
        %dma_wait3A_422 = tpu.memref_slice %arg4[%dma_wait3A_420, %dma_wait3A_421] : memref<819200x128xf32, #tpu.memory_space<hbm>> -> memref<128x128xf32, #tpu.memory_space<hbm>>
        tpu.wait_dma2 semaphore(%arg13 : memref<!tpu.dma_semaphore, #tpu.memory_space<semaphore_mem>>) src(%arg8 : memref<128x128xf32, #tpu.memory_space<vmem>>) dst(%dma_wait3A_422 : memref<128x128xf32, #tpu.memory_space<hbm>>)
      } else {
      }
      %convert_element_type3A_64 = arith.extui %or3A_53 : i1 to i32
      %cond3A_65 = arith.constant 0 : i32
      %cond3A_66 = arith.cmpi ne, %convert_element_type3A_64, %cond3A_65 : i32
      scf.if %cond3A_66 {
        %add3A_417 = arith.constant 2 : i32
        %add3A_418 = arith.addi %add3A_51, %add3A_417 : i32
        %dma_start3A_419 = arith.constant 0 : i32
        %dma_start3A_420 = tpu.memref_slice %arg5[%add3A_418, %dma_start3A_419] : memref<200x128xi32, #tpu.memory_space<vmem>> -> memref<1x128xi32, #tpu.memory_space<vmem>>
        %dma_start3A_421 = tpu.memref_squeeze %dma_start3A_420 : memref<1x128xi32, #tpu.memory_space<vmem>> -> memref<128xi32, #tpu.memory_space<vmem>>
        %dma_start3A_422 = arith.constant 0 : i32
        %dma_start3A_423 = arith.constant 0 : i32
        %dma_start3A_424 = tpu.memref_slice %arg2[%dma_start3A_422, %dma_start3A_423] : memref<1000000x128xf32, #tpu.memory_space<hbm>> -> memref<1000000x128xf32, #tpu.memory_space<hbm>>
        tpu.enqueue_indirect_dma source(%dma_start3A_424 : memref<1000000x128xf32, #tpu.memory_space<hbm>>) target(%arg8 : memref<128x128xf32, #tpu.memory_space<vmem>>) offsets(%dma_start3A_421 : memref<128xi32, #tpu.memory_space<vmem>>) semaphore(%arg10 : memref<!tpu.dma_semaphore, #tpu.memory_space<semaphore_mem>>)
      } else {
      }
      %get3A = arith.index_cast %add3A_51 : i32 to index
      %get3A_67 = arith.constant 0 : index
      %get3A_68 = tpu.vector_load %arg5[%get3A, %get3A_67] {strides = array<i32>} : memref<200x128xi32, #tpu.memory_space<vmem>>, vector<16xi32>,
      %eq3A = arith.constant 0 : i32
      %eq3A_69 = vector.broadcast %eq3A : i32 to vector<16xi32>
      %eq3A_70 = arith.cmpi eq, %get3A_68, %eq3A_69 : vector<16xi32>
      %get3A_71 = arith.index_cast %add3A_51 : i32 to index
      %get3A_72 = arith.constant 16 : index
      %get3A_73 = tpu.vector_load %arg5[%get3A_71, %get3A_72] {strides = array<i32>} : memref<200x128xi32, #tpu.memory_space<vmem>>, vector<16xi32>,
      %eq3A_74 = arith.constant 0 : i32
      %eq3A_75 = vector.broadcast %eq3A_74 : i32 to vector<16xi32>
      %eq3A_76 = arith.cmpi eq, %get3A_73, %eq3A_75 : vector<16xi32>
      %or3A_77 = arith.ori %eq3A_70, %eq3A_76 : vector<16xi1>
      %get3A_78 = arith.index_cast %add3A_51 : i32 to index
      %get3A_79 = arith.constant 32 : index
      %get3A_80 = tpu.vector_load %arg5[%get3A_78, %get3A_79] {strides = array<i32>} : memref<200x128xi32, #tpu.memory_space<vmem>>, vector<16xi32>,
      %eq3A_81 = arith.constant 0 : i32
      %eq3A_82 = vector.broadcast %eq3A_81 : i32 to vector<16xi32>
      %eq3A_83 = arith.cmpi eq, %get3A_80, %eq3A_82 : vector<16xi32>
      %or3A_84 = arith.ori %or3A_77, %eq3A_83 : vector<16xi1>
      %get3A_85 = arith.index_cast %add3A_51 : i32 to index
      %get3A_86 = arith.constant 48 : index
      %get3A_87 = tpu.vector_load %arg5[%get3A_85, %get3A_86] {strides = array<i32>} : memref<200x128xi32, #tpu.memory_space<vmem>>, vector<16xi32>,
      %eq3A_88 = arith.constant 0 : i32
      %eq3A_89 = vector.broadcast %eq3A_88 : i32 to vector<16xi32>
      %eq3A_90 = arith.cmpi eq, %get3A_87, %eq3A_89 : vector<16xi32>
      %or3A_91 = arith.ori %or3A_84, %eq3A_90 : vector<16xi1>
      %get3A_92 = arith.index_cast %add3A_51 : i32 to index
      %get3A_93 = arith.constant 64 : index
      %get3A_94 = tpu.vector_load %arg5[%get3A_92, %get3A_93] {strides = array<i32>} : memref<200x128xi32, #tpu.memory_space<vmem>>, vector<16xi32>,
      %eq3A_95 = arith.constant 0 : i32
      %eq3A_96 = vector.broadcast %eq3A_95 : i32 to vector<16xi32>
      %eq3A_97 = arith.cmpi eq, %get3A_94, %eq3A_96 : vector<16xi32>
      %or3A_98 = arith.ori %or3A_91, %eq3A_97 : vector<16xi1>
      %get3A_99 = arith.index_cast %add3A_51 : i32 to index
      %get3A_100 = arith.constant 80 : index
      %get3A_101 = tpu.vector_load %arg5[%get3A_99, %get3A_100] {strides = array<i32>} : memref<200x128xi32, #tpu.memory_space<vmem>>, vector<16xi32>,
      %eq3A_102 = arith.constant 0 : i32
      %eq3A_103 = vector.broadcast %eq3A_102 : i32 to vector<16xi32>
      %eq3A_104 = arith.cmpi eq, %get3A_101, %eq3A_103 : vector<16xi32>
      %or3A_105 = arith.ori %or3A_98, %eq3A_104 : vector<16xi1>
      %get3A_106 = arith.index_cast %add3A_51 : i32 to index
      %get3A_107 = arith.constant 96 : index
      %get3A_108 = tpu.vector_load %arg5[%get3A_106, %get3A_107] {strides = array<i32>} : memref<200x128xi32, #tpu.memory_space<vmem>>, vector<16xi32>,
      %eq3A_109 = arith.constant 0 : i32
      %eq3A_110 = vector.broadcast %eq3A_109 : i32 to vector<16xi32>
      %eq3A_111 = arith.cmpi eq, %get3A_108, %eq3A_110 : vector<16xi32>
      %or3A_112 = arith.ori %or3A_105, %eq3A_111 : vector<16xi1>
      %get3A_113 = arith.index_cast %add3A_51 : i32 to index
      %get3A_114 = arith.constant 112 : index
      %get3A_115 = tpu.vector_load %arg5[%get3A_113, %get3A_114] {strides = array<i32>} : memref<200x128xi32, #tpu.memory_space<vmem>>, vector<16xi32>,
      %eq3A_116 = arith.constant 0 : i32
      %eq3A_117 = vector.broadcast %eq3A_116 : i32 to vector<16xi32>
      %eq3A_118 = arith.cmpi eq, %get3A_115, %eq3A_117 : vector<16xi32>
      %or3A_119 = arith.ori %or3A_112, %eq3A_118 : vector<16xi1>
      %all_reduce_population_count3A = tpu.all_reduce %or3A_119 {dim = 0 : i64, kind = #tpu.reduction_kind<sum>} : vector<16xi1> -> vector<16xi32>
      %slice3A = vector.extract_strided_slice %all_reduce_population_count3A {offsets = [0], sizes = [1], strides = [1]} : vector<16xi32> to vector<1xi32>
      %squeeze3A = vector.extract %slice3A[0] : i32 from vector<1xi32>
      %gt3A_120 = arith.constant 0 : i32
      %gt3A_121 = arith.cmpi sgt, %squeeze3A, %gt3A_120 : i32
      %convert_element_type3A_122 = arith.extui %gt3A_121 : i1 to i32
      %cond3A_123 = arith.constant 0 : i32
      %cond3A_124 = arith.cmpi ne, %convert_element_type3A_122, %cond3A_123 : i32
      scf.if %cond3A_124 {
        %scan3A_417 = arith.constant 0 : i32
        %scan3A_418 = arith.constant 0 : i32
        %scan3A_419 = arith.constant 8 : i32
        %scan3A_420 = arith.addi %scan3A_418, %scan3A_419 : i32
        %scan3A_421 = arith.constant 1 : i32
        scf.for %scan3A_423 = %scan3A_418 to %scan3A_420 step %scan3A_421  : i32 {
          %mul3A_424 = arith.constant 16 : i32
          %mul3A_425 = arith.muli %scan3A_423, %mul3A_424 : i32
          %get3A_426 = arith.index_cast %add3A_51 : i32 to index
          %get3A_427 = arith.index_cast %mul3A_425 : i32 to index
          %get3A_428 = tpu.vector_load %arg5[%get3A_426, %get3A_427] {strides = array<i32>} : memref<200x128xi32, #tpu.memory_space<vmem>>, vector<16xi32>,
          %eq3A_429 = arith.constant 0 : i32
          %eq3A_430 = vector.broadcast %eq3A_429 : i32 to vector<16xi32>
          %eq3A_431 = arith.cmpi eq, %get3A_428, %eq3A_430 : vector<16xi32>
          %mul3A_432 = arith.constant 16 : i32
          %mul3A_433 = arith.muli %scan3A_423, %mul3A_432 : i32
          %iota3A = tpu.iota {dimensions = array<i32: 0>} : vector<16xi32>
          %add3A_434 = vector.broadcast %mul3A_433 : i32 to vector<16xi32>
          %add3A_435 = arith.addi %add3A_434, %iota3A : vector<16xi32>
          %all_reduce_population_count3A_436 = tpu.all_reduce %eq3A_431 {dim = 0 : i64, kind = #tpu.reduction_kind<sum>} : vector<16xi1> -> vector<16xi32>
          %slice3A_437 = vector.extract_strided_slice %all_reduce_population_count3A_436 {offsets = [0], sizes = [1], strides = [1]} : vector<16xi32> to vector<1xi32>
          %squeeze3A_438 = vector.extract %slice3A_437[0] : i32 from vector<1xi32>
          %gt3A_439 = arith.constant 0 : i32
          %gt3A_440 = arith.cmpi sgt, %squeeze3A_438, %gt3A_439 : i32
          %convert_element_type3A_441 = arith.extui %gt3A_440 : i1 to i32
          %cond3A_442 = arith.constant 0 : i32
          %cond3A_443 = arith.cmpi ne, %convert_element_type3A_441, %cond3A_442 : i32
          scf.if %cond3A_443 {
            %scan3A_444 = arith.constant 0 : i32
            %scan3A_445 = arith.constant 0 : i32
            %scan3A_446 = arith.constant 64 : i32
            %scan3A_447 = arith.addi %scan3A_445, %scan3A_446 : i32
            %scan3A_448 = arith.constant 1 : i32
            scf.for %scan3A_450 = %scan3A_445 to %scan3A_447 step %scan3A_448  : i32 {
              %broadcast_in_dim3A = arith.constant 0 : i32
              %broadcast_in_dim3A_451 = vector.broadcast %broadcast_in_dim3A : i32 to vector<16xi32>
              %add3A_452 = vector.broadcast %scan3A_450 : i32 to vector<16xi32>
              %add3A_453 = arith.addi %broadcast_in_dim3A_451, %add3A_452 : vector<16xi32>
              %broadcast_in_dim3A_454 = arith.constant 0.000000e+00 : f32
              %broadcast_in_dim3A_455 = vector.broadcast %broadcast_in_dim3A_454 : f32 to vector<16xf32>
              tpu.vector_store_idx %arg6[%add3A_435, %add3A_453], %broadcast_in_dim3A_455 masked %eq3A_431 : memref<128x128xf32, #tpu.memory_space<vmem>>[vector<16xi32>, vector<16xi32>], vector<16xf32>, vector<16xi1>
            }
            %scan3A_449 = arith.constant 64 : i32
          } else {
          }
        }
        %scan3A_422 = arith.constant 8 : i32
      } else {
      }
      %mul3A_125 = arith.constant 128 : i32
      %mul3A_126 = arith.muli %add3A_51, %mul3A_125 : i32
      %add3A_127 = arith.addi %mul3A_2, %mul3A_126 : i32
      %dma_start3A_128 = arith.constant 0 : i32
      %dma_start3A_129 = tpu.memref_slice %arg4[%add3A_127, %dma_start3A_128] : memref<819200x128xf32, #tpu.memory_space<hbm>> -> memref<128x128xf32, #tpu.memory_space<hbm>>
      %dma_start3A_130 = arith.constant 0 : i32
      %dma_start3A_131 = tpu.memref_slice %arg4[%add3A_127, %dma_start3A_130] : memref<819200x128xf32, #tpu.memory_space<hbm>> -> memref<128x128xf32, #tpu.memory_space<hbm>>
      tpu.enqueue_dma source(%arg6 : memref<128x128xf32, #tpu.memory_space<vmem>>) target(%dma_start3A_131 : memref<128x128xf32, #tpu.memory_space<hbm>>) target_semaphore(%arg11 : memref<!tpu.dma_semaphore, #tpu.memory_space<semaphore_mem>>)
      %mul3A_132 = arith.constant 4 : i32
      %mul3A_133 = arith.muli %mul3A_132, %add3A_47 : i32
      %add3A_134 = arith.constant 1 : i32
      %add3A_135 = arith.addi %mul3A_133, %add3A_134 : i32
      %lt3A_136 = arith.constant 49 : i32
      %lt3A_137 = arith.cmpi slt, %add3A_47, %lt3A_136 : i32
      %or3A_138 = arith.constant true
      %or3A_139 = arith.ori %lt3A_137, %or3A_138 : i1
      %gt3A_140 = arith.constant 0 : i32
      %gt3A_141 = arith.cmpi sgt, %add3A_47, %gt3A_140 : i32
      %or3A_142 = arith.constant false
      %or3A_143 = arith.ori %gt3A_141, %or3A_142 : i1
      %dma_wait3A_144 = arith.constant 0 : i32
      %dma_wait3A_145 = tpu.memref_slice %arg5[%add3A_135, %dma_wait3A_144] : memref<200x128xi32, #tpu.memory_space<vmem>> -> memref<1x128xi32, #tpu.memory_space<vmem>>
      %dma_wait3A_146 = tpu.memref_squeeze %dma_wait3A_145 : memref<1x128xi32, #tpu.memory_space<vmem>> -> memref<128xi32, #tpu.memory_space<vmem>>
      %dma_wait3A_147 = arith.constant 0 : i32
      %dma_wait3A_148 = arith.constant 0 : i32
      %dma_wait3A_149 = tpu.memref_slice %arg2[%dma_wait3A_147, %dma_wait3A_148] : memref<1000000x128xf32, #tpu.memory_space<hbm>> -> memref<1000000x128xf32, #tpu.memory_space<hbm>>
      tpu.wait_indirect_dma semaphore(%arg10 : memref<!tpu.dma_semaphore, #tpu.memory_space<semaphore_mem>>) src(%dma_wait3A_149 : memref<1000000x128xf32, #tpu.memory_space<hbm>>) dst(%arg7 : memref<128x128xf32, #tpu.memory_space<vmem>>)
      %and3A_150 = arith.andi %or3A_143, %or3A_139 : i1
      %convert_element_type3A_151 = arith.extui %and3A_150 : i1 to i32
      %cond3A_152 = arith.constant 0 : i32
      %cond3A_153 = arith.cmpi ne, %convert_element_type3A_151, %cond3A_152 : i32
      scf.if %cond3A_153 {
        %dma_wait3A_417 = arith.constant 0 : i32
        %dma_wait3A_418 = arith.constant 0 : i32
        %dma_wait3A_419 = tpu.memref_slice %arg4[%dma_wait3A_417, %dma_wait3A_418] : memref<819200x128xf32, #tpu.memory_space<hbm>> -> memref<128x128xf32, #tpu.memory_space<hbm>>
        %dma_wait3A_420 = arith.constant 0 : i32
        %dma_wait3A_421 = arith.constant 0 : i32
        %dma_wait3A_422 = tpu.memref_slice %arg4[%dma_wait3A_420, %dma_wait3A_421] : memref<819200x128xf32, #tpu.memory_space<hbm>> -> memref<128x128xf32, #tpu.memory_space<hbm>>
        tpu.wait_dma2 semaphore(%arg14 : memref<!tpu.dma_semaphore, #tpu.memory_space<semaphore_mem>>) src(%arg9 : memref<128x128xf32, #tpu.memory_space<vmem>>) dst(%dma_wait3A_422 : memref<128x128xf32, #tpu.memory_space<hbm>>)
      } else {
      }
      %convert_element_type3A_154 = arith.extui %or3A_139 : i1 to i32
      %cond3A_155 = arith.constant 0 : i32
      %cond3A_156 = arith.cmpi ne, %convert_element_type3A_154, %cond3A_155 : i32
      scf.if %cond3A_156 {
        %add3A_417 = arith.constant 2 : i32
        %add3A_418 = arith.addi %add3A_135, %add3A_417 : i32
        %dma_start3A_419 = arith.constant 0 : i32
        %dma_start3A_420 = tpu.memref_slice %arg5[%add3A_418, %dma_start3A_419] : memref<200x128xi32, #tpu.memory_space<vmem>> -> memref<1x128xi32, #tpu.memory_space<vmem>>
        %dma_start3A_421 = tpu.memref_squeeze %dma_start3A_420 : memref<1x128xi32, #tpu.memory_space<vmem>> -> memref<128xi32, #tpu.memory_space<vmem>>
        %dma_start3A_422 = arith.constant 0 : i32
        %dma_start3A_423 = arith.constant 0 : i32
        %dma_start3A_424 = tpu.memref_slice %arg2[%dma_start3A_422, %dma_start3A_423] : memref<1000000x128xf32, #tpu.memory_space<hbm>> -> memref<1000000x128xf32, #tpu.memory_space<hbm>>
        tpu.enqueue_indirect_dma source(%dma_start3A_424 : memref<1000000x128xf32, #tpu.memory_space<hbm>>) target(%arg9 : memref<128x128xf32, #tpu.memory_space<vmem>>) offsets(%dma_start3A_421 : memref<128xi32, #tpu.memory_space<vmem>>) semaphore(%arg10 : memref<!tpu.dma_semaphore, #tpu.memory_space<semaphore_mem>>)
      } else {
      }
      %get3A_157 = arith.index_cast %add3A_135 : i32 to index
      %get3A_158 = arith.constant 0 : index
      %get3A_159 = tpu.vector_load %arg5[%get3A_157, %get3A_158] {strides = array<i32>} : memref<200x128xi32, #tpu.memory_space<vmem>>, vector<16xi32>,
      %eq3A_160 = arith.constant 0 : i32
      %eq3A_161 = vector.broadcast %eq3A_160 : i32 to vector<16xi32>
      %eq3A_162 = arith.cmpi eq, %get3A_159, %eq3A_161 : vector<16xi32>
      %get3A_163 = arith.index_cast %add3A_135 : i32 to index
      %get3A_164 = arith.constant 16 : index
      %get3A_165 = tpu.vector_load %arg5[%get3A_163, %get3A_164] {strides = array<i32>} : memref<200x128xi32, #tpu.memory_space<vmem>>, vector<16xi32>,
      %eq3A_166 = arith.constant 0 : i32
      %eq3A_167 = vector.broadcast %eq3A_166 : i32 to vector<16xi32>
      %eq3A_168 = arith.cmpi eq, %get3A_165, %eq3A_167 : vector<16xi32>
      %or3A_169 = arith.ori %eq3A_162, %eq3A_168 : vector<16xi1>
      %get3A_170 = arith.index_cast %add3A_135 : i32 to index
      %get3A_171 = arith.constant 32 : index
      %get3A_172 = tpu.vector_load %arg5[%get3A_170, %get3A_171] {strides = array<i32>} : memref<200x128xi32, #tpu.memory_space<vmem>>, vector<16xi32>,
      %eq3A_173 = arith.constant 0 : i32
      %eq3A_174 = vector.broadcast %eq3A_173 : i32 to vector<16xi32>
      %eq3A_175 = arith.cmpi eq, %get3A_172, %eq3A_174 : vector<16xi32>
      %or3A_176 = arith.ori %or3A_169, %eq3A_175 : vector<16xi1>
      %get3A_177 = arith.index_cast %add3A_135 : i32 to index
      %get3A_178 = arith.constant 48 : index
      %get3A_179 = tpu.vector_load %arg5[%get3A_177, %get3A_178] {strides = array<i32>} : memref<200x128xi32, #tpu.memory_space<vmem>>, vector<16xi32>,
      %eq3A_180 = arith.constant 0 : i32
      %eq3A_181 = vector.broadcast %eq3A_180 : i32 to vector<16xi32>
      %eq3A_182 = arith.cmpi eq, %get3A_179, %eq3A_181 : vector<16xi32>
      %or3A_183 = arith.ori %or3A_176, %eq3A_182 : vector<16xi1>
      %get3A_184 = arith.index_cast %add3A_135 : i32 to index
      %get3A_185 = arith.constant 64 : index
      %get3A_186 = tpu.vector_load %arg5[%get3A_184, %get3A_185] {strides = array<i32>} : memref<200x128xi32, #tpu.memory_space<vmem>>, vector<16xi32>,
      %eq3A_187 = arith.constant 0 : i32
      %eq3A_188 = vector.broadcast %eq3A_187 : i32 to vector<16xi32>
      %eq3A_189 = arith.cmpi eq, %get3A_186, %eq3A_188 : vector<16xi32>
      %or3A_190 = arith.ori %or3A_183, %eq3A_189 : vector<16xi1>
      %get3A_191 = arith.index_cast %add3A_135 : i32 to index
      %get3A_192 = arith.constant 80 : index
      %get3A_193 = tpu.vector_load %arg5[%get3A_191, %get3A_192] {strides = array<i32>} : memref<200x128xi32, #tpu.memory_space<vmem>>, vector<16xi32>,
      %eq3A_194 = arith.constant 0 : i32
      %eq3A_195 = vector.broadcast %eq3A_194 : i32 to vector<16xi32>
      %eq3A_196 = arith.cmpi eq, %get3A_193, %eq3A_195 : vector<16xi32>
      %or3A_197 = arith.ori %or3A_190, %eq3A_196 : vector<16xi1>
      %get3A_198 = arith.index_cast %add3A_135 : i32 to index
      %get3A_199 = arith.constant 96 : index
      %get3A_200 = tpu.vector_load %arg5[%get3A_198, %get3A_199] {strides = array<i32>} : memref<200x128xi32, #tpu.memory_space<vmem>>, vector<16xi32>,
      %eq3A_201 = arith.constant 0 : i32
      %eq3A_202 = vector.broadcast %eq3A_201 : i32 to vector<16xi32>
      %eq3A_203 = arith.cmpi eq, %get3A_200, %eq3A_202 : vector<16xi32>
      %or3A_204 = arith.ori %or3A_197, %eq3A_203 : vector<16xi1>
      %get3A_205 = arith.index_cast %add3A_135 : i32 to index
      %get3A_206 = arith.constant 112 : index
      %get3A_207 = tpu.vector_load %arg5[%get3A_205, %get3A_206] {strides = array<i32>} : memref<200x128xi32, #tpu.memory_space<vmem>>, vector<16xi32>,
      %eq3A_208 = arith.constant 0 : i32
      %eq3A_209 = vector.broadcast %eq3A_208 : i32 to vector<16xi32>
      %eq3A_210 = arith.cmpi eq, %get3A_207, %eq3A_209 : vector<16xi32>
      %or3A_211 = arith.ori %or3A_204, %eq3A_210 : vector<16xi1>
      %all_reduce_population_count3A_212 = tpu.all_reduce %or3A_211 {dim = 0 : i64, kind = #tpu.reduction_kind<sum>} : vector<16xi1> -> vector<16xi32>
      %slice3A_213 = vector.extract_strided_slice %all_reduce_population_count3A_212 {offsets = [0], sizes = [1], strides = [1]} : vector<16xi32> to vector<1xi32>
      %squeeze3A_214 = vector.extract %slice3A_213[0] : i32 from vector<1xi32>
      %gt3A_215 = arith.constant 0 : i32
      %gt3A_216 = arith.cmpi sgt, %squeeze3A_214, %gt3A_215 : i32
      %convert_element_type3A_217 = arith.extui %gt3A_216 : i1 to i32
      %cond3A_218 = arith.constant 0 : i32
      %cond3A_219 = arith.cmpi ne, %convert_element_type3A_217, %cond3A_218 : i32
      scf.if %cond3A_219 {
        %scan3A_417 = arith.constant 0 : i32
        %scan3A_418 = arith.constant 0 : i32
        %scan3A_419 = arith.constant 8 : i32
        %scan3A_420 = arith.addi %scan3A_418, %scan3A_419 : i32
        %scan3A_421 = arith.constant 1 : i32
        scf.for %scan3A_423 = %scan3A_418 to %scan3A_420 step %scan3A_421  : i32 {
          %mul3A_424 = arith.constant 16 : i32
          %mul3A_425 = arith.muli %scan3A_423, %mul3A_424 : i32
          %get3A_426 = arith.index_cast %add3A_135 : i32 to index
          %get3A_427 = arith.index_cast %mul3A_425 : i32 to index
          %get3A_428 = tpu.vector_load %arg5[%get3A_426, %get3A_427] {strides = array<i32>} : memref<200x128xi32, #tpu.memory_space<vmem>>, vector<16xi32>,
          %eq3A_429 = arith.constant 0 : i32
          %eq3A_430 = vector.broadcast %eq3A_429 : i32 to vector<16xi32>
          %eq3A_431 = arith.cmpi eq, %get3A_428, %eq3A_430 : vector<16xi32>
          %mul3A_432 = arith.constant 16 : i32
          %mul3A_433 = arith.muli %scan3A_423, %mul3A_432 : i32
          %iota3A = tpu.iota {dimensions = array<i32: 0>} : vector<16xi32>
          %add3A_434 = vector.broadcast %mul3A_433 : i32 to vector<16xi32>
          %add3A_435 = arith.addi %add3A_434, %iota3A : vector<16xi32>
          %all_reduce_population_count3A_436 = tpu.all_reduce %eq3A_431 {dim = 0 : i64, kind = #tpu.reduction_kind<sum>} : vector<16xi1> -> vector<16xi32>
          %slice3A_437 = vector.extract_strided_slice %all_reduce_population_count3A_436 {offsets = [0], sizes = [1], strides = [1]} : vector<16xi32> to vector<1xi32>
          %squeeze3A_438 = vector.extract %slice3A_437[0] : i32 from vector<1xi32>
          %gt3A_439 = arith.constant 0 : i32
          %gt3A_440 = arith.cmpi sgt, %squeeze3A_438, %gt3A_439 : i32
          %convert_element_type3A_441 = arith.extui %gt3A_440 : i1 to i32
          %cond3A_442 = arith.constant 0 : i32
          %cond3A_443 = arith.cmpi ne, %convert_element_type3A_441, %cond3A_442 : i32
          scf.if %cond3A_443 {
            %scan3A_444 = arith.constant 0 : i32
            %scan3A_445 = arith.constant 0 : i32
            %scan3A_446 = arith.constant 64 : i32
            %scan3A_447 = arith.addi %scan3A_445, %scan3A_446 : i32
            %scan3A_448 = arith.constant 1 : i32
            scf.for %scan3A_450 = %scan3A_445 to %scan3A_447 step %scan3A_448  : i32 {
              %broadcast_in_dim3A = arith.constant 0 : i32
              %broadcast_in_dim3A_451 = vector.broadcast %broadcast_in_dim3A : i32 to vector<16xi32>
              %add3A_452 = vector.broadcast %scan3A_450 : i32 to vector<16xi32>
              %add3A_453 = arith.addi %broadcast_in_dim3A_451, %add3A_452 : vector<16xi32>
              %broadcast_in_dim3A_454 = arith.constant 0.000000e+00 : f32
              %broadcast_in_dim3A_455 = vector.broadcast %broadcast_in_dim3A_454 : f32 to vector<16xf32>
              tpu.vector_store_idx %arg7[%add3A_435, %add3A_453], %broadcast_in_dim3A_455 masked %eq3A_431 : memref<128x128xf32, #tpu.memory_space<vmem>>[vector<16xi32>, vector<16xi32>], vector<16xf32>, vector<16xi1>
            }
            %scan3A_449 = arith.constant 64 : i32
          } else {
          }
        }
        %scan3A_422 = arith.constant 8 : i32
      } else {
      }
      %mul3A_220 = arith.constant 128 : i32
      %mul3A_221 = arith.muli %add3A_135, %mul3A_220 : i32
      %add3A_222 = arith.addi %mul3A_2, %mul3A_221 : i32
      %dma_start3A_223 = arith.constant 0 : i32
      %dma_start3A_224 = tpu.memref_slice %arg4[%add3A_222, %dma_start3A_223] : memref<819200x128xf32, #tpu.memory_space<hbm>> -> memref<128x128xf32, #tpu.memory_space<hbm>>
      %dma_start3A_225 = arith.constant 0 : i32
      %dma_start3A_226 = tpu.memref_slice %arg4[%add3A_222, %dma_start3A_225] : memref<819200x128xf32, #tpu.memory_space<hbm>> -> memref<128x128xf32, #tpu.memory_space<hbm>>
      tpu.enqueue_dma source(%arg7 : memref<128x128xf32, #tpu.memory_space<vmem>>) target(%dma_start3A_226 : memref<128x128xf32, #tpu.memory_space<hbm>>) target_semaphore(%arg12 : memref<!tpu.dma_semaphore, #tpu.memory_space<semaphore_mem>>)
      %mul3A_227 = arith.constant 4 : i32
      %mul3A_228 = arith.muli %mul3A_227, %add3A_47 : i32
      %add3A_229 = arith.constant 2 : i32
      %add3A_230 = arith.addi %mul3A_228, %add3A_229 : i32
      %lt3A_231 = arith.constant 49 : i32
      %lt3A_232 = arith.cmpi slt, %add3A_47, %lt3A_231 : i32
      %or3A_233 = arith.constant false
      %or3A_234 = arith.ori %lt3A_232, %or3A_233 : i1
      %gt3A_235 = arith.constant 0 : i32
      %gt3A_236 = arith.cmpi sgt, %add3A_47, %gt3A_235 : i32
      %or3A_237 = arith.constant true
      %or3A_238 = arith.ori %gt3A_236, %or3A_237 : i1
      %dma_wait3A_239 = arith.constant 0 : i32
      %dma_wait3A_240 = tpu.memref_slice %arg5[%add3A_230, %dma_wait3A_239] : memref<200x128xi32, #tpu.memory_space<vmem>> -> memref<1x128xi32, #tpu.memory_space<vmem>>
      %dma_wait3A_241 = tpu.memref_squeeze %dma_wait3A_240 : memref<1x128xi32, #tpu.memory_space<vmem>> -> memref<128xi32, #tpu.memory_space<vmem>>
      %dma_wait3A_242 = arith.constant 0 : i32
      %dma_wait3A_243 = arith.constant 0 : i32
      %dma_wait3A_244 = tpu.memref_slice %arg2[%dma_wait3A_242, %dma_wait3A_243] : memref<1000000x128xf32, #tpu.memory_space<hbm>> -> memref<1000000x128xf32, #tpu.memory_space<hbm>>
      tpu.wait_indirect_dma semaphore(%arg10 : memref<!tpu.dma_semaphore, #tpu.memory_space<semaphore_mem>>) src(%dma_wait3A_244 : memref<1000000x128xf32, #tpu.memory_space<hbm>>) dst(%arg8 : memref<128x128xf32, #tpu.memory_space<vmem>>)
      %and3A_245 = arith.andi %or3A_238, %or3A_234 : i1
      %convert_element_type3A_246 = arith.extui %and3A_245 : i1 to i32
      %cond3A_247 = arith.constant 0 : i32
      %cond3A_248 = arith.cmpi ne, %convert_element_type3A_246, %cond3A_247 : i32
      scf.if %cond3A_248 {
        %dma_wait3A_417 = arith.constant 0 : i32
        %dma_wait3A_418 = arith.constant 0 : i32
        %dma_wait3A_419 = tpu.memref_slice %arg4[%dma_wait3A_417, %dma_wait3A_418] : memref<819200x128xf32, #tpu.memory_space<hbm>> -> memref<128x128xf32, #tpu.memory_space<hbm>>
        %dma_wait3A_420 = arith.constant 0 : i32
        %dma_wait3A_421 = arith.constant 0 : i32
        %dma_wait3A_422 = tpu.memref_slice %arg4[%dma_wait3A_420, %dma_wait3A_421] : memref<819200x128xf32, #tpu.memory_space<hbm>> -> memref<128x128xf32, #tpu.memory_space<hbm>>
        tpu.wait_dma2 semaphore(%arg11 : memref<!tpu.dma_semaphore, #tpu.memory_space<semaphore_mem>>) src(%arg6 : memref<128x128xf32, #tpu.memory_space<vmem>>) dst(%dma_wait3A_422 : memref<128x128xf32, #tpu.memory_space<hbm>>)
      } else {
      }
      %convert_element_type3A_249 = arith.extui %or3A_234 : i1 to i32
      %cond3A_250 = arith.constant 0 : i32
      %cond3A_251 = arith.cmpi ne, %convert_element_type3A_249, %cond3A_250 : i32
      scf.if %cond3A_251 {
        %add3A_417 = arith.constant 2 : i32
        %add3A_418 = arith.addi %add3A_230, %add3A_417 : i32
        %dma_start3A_419 = arith.constant 0 : i32
        %dma_start3A_420 = tpu.memref_slice %arg5[%add3A_418, %dma_start3A_419] : memref<200x128xi32, #tpu.memory_space<vmem>> -> memref<1x128xi32, #tpu.memory_space<vmem>>
        %dma_start3A_421 = tpu.memref_squeeze %dma_start3A_420 : memref<1x128xi32, #tpu.memory_space<vmem>> -> memref<128xi32, #tpu.memory_space<vmem>>
        %dma_start3A_422 = arith.constant 0 : i32
        %dma_start3A_423 = arith.constant 0 : i32
        %dma_start3A_424 = tpu.memref_slice %arg2[%dma_start3A_422, %dma_start3A_423] : memref<1000000x128xf32, #tpu.memory_space<hbm>> -> memref<1000000x128xf32, #tpu.memory_space<hbm>>
        tpu.enqueue_indirect_dma source(%dma_start3A_424 : memref<1000000x128xf32, #tpu.memory_space<hbm>>) target(%arg6 : memref<128x128xf32, #tpu.memory_space<vmem>>) offsets(%dma_start3A_421 : memref<128xi32, #tpu.memory_space<vmem>>) semaphore(%arg10 : memref<!tpu.dma_semaphore, #tpu.memory_space<semaphore_mem>>)
      } else {
      }
      %get3A_252 = arith.index_cast %add3A_230 : i32 to index
      %get3A_253 = arith.constant 0 : index
      %get3A_254 = tpu.vector_load %arg5[%get3A_252, %get3A_253] {strides = array<i32>} : memref<200x128xi32, #tpu.memory_space<vmem>>, vector<16xi32>,
      %eq3A_255 = arith.constant 0 : i32
      %eq3A_256 = vector.broadcast %eq3A_255 : i32 to vector<16xi32>
      %eq3A_257 = arith.cmpi eq, %get3A_254, %eq3A_256 : vector<16xi32>
      %get3A_258 = arith.index_cast %add3A_230 : i32 to index
      %get3A_259 = arith.constant 16 : index
      %get3A_260 = tpu.vector_load %arg5[%get3A_258, %get3A_259] {strides = array<i32>} : memref<200x128xi32, #tpu.memory_space<vmem>>, vector<16xi32>,
      %eq3A_261 = arith.constant 0 : i32
      %eq3A_262 = vector.broadcast %eq3A_261 : i32 to vector<16xi32>
      %eq3A_263 = arith.cmpi eq, %get3A_260, %eq3A_262 : vector<16xi32>
      %or3A_264 = arith.ori %eq3A_257, %eq3A_263 : vector<16xi1>
      %get3A_265 = arith.index_cast %add3A_230 : i32 to index
      %get3A_266 = arith.constant 32 : index
      %get3A_267 = tpu.vector_load %arg5[%get3A_265, %get3A_266] {strides = array<i32>} : memref<200x128xi32, #tpu.memory_space<vmem>>, vector<16xi32>,
      %eq3A_268 = arith.constant 0 : i32
      %eq3A_269 = vector.broadcast %eq3A_268 : i32 to vector<16xi32>
      %eq3A_270 = arith.cmpi eq, %get3A_267, %eq3A_269 : vector<16xi32>
      %or3A_271 = arith.ori %or3A_264, %eq3A_270 : vector<16xi1>
      %get3A_272 = arith.index_cast %add3A_230 : i32 to index
      %get3A_273 = arith.constant 48 : index
      %get3A_274 = tpu.vector_load %arg5[%get3A_272, %get3A_273] {strides = array<i32>} : memref<200x128xi32, #tpu.memory_space<vmem>>, vector<16xi32>,
      %eq3A_275 = arith.constant 0 : i32
      %eq3A_276 = vector.broadcast %eq3A_275 : i32 to vector<16xi32>
      %eq3A_277 = arith.cmpi eq, %get3A_274, %eq3A_276 : vector<16xi32>
      %or3A_278 = arith.ori %or3A_271, %eq3A_277 : vector<16xi1>
      %get3A_279 = arith.index_cast %add3A_230 : i32 to index
      %get3A_280 = arith.constant 64 : index
      %get3A_281 = tpu.vector_load %arg5[%get3A_279, %get3A_280] {strides = array<i32>} : memref<200x128xi32, #tpu.memory_space<vmem>>, vector<16xi32>,
      %eq3A_282 = arith.constant 0 : i32
      %eq3A_283 = vector.broadcast %eq3A_282 : i32 to vector<16xi32>
      %eq3A_284 = arith.cmpi eq, %get3A_281, %eq3A_283 : vector<16xi32>
      %or3A_285 = arith.ori %or3A_278, %eq3A_284 : vector<16xi1>
      %get3A_286 = arith.index_cast %add3A_230 : i32 to index
      %get3A_287 = arith.constant 80 : index
      %get3A_288 = tpu.vector_load %arg5[%get3A_286, %get3A_287] {strides = array<i32>} : memref<200x128xi32, #tpu.memory_space<vmem>>, vector<16xi32>,
      %eq3A_289 = arith.constant 0 : i32
      %eq3A_290 = vector.broadcast %eq3A_289 : i32 to vector<16xi32>
      %eq3A_291 = arith.cmpi eq, %get3A_288, %eq3A_290 : vector<16xi32>
      %or3A_292 = arith.ori %or3A_285, %eq3A_291 : vector<16xi1>
      %get3A_293 = arith.index_cast %add3A_230 : i32 to index
      %get3A_294 = arith.constant 96 : index
      %get3A_295 = tpu.vector_load %arg5[%get3A_293, %get3A_294] {strides = array<i32>} : memref<200x128xi32, #tpu.memory_space<vmem>>, vector<16xi32>,
      %eq3A_296 = arith.constant 0 : i32
      %eq3A_297 = vector.broadcast %eq3A_296 : i32 to vector<16xi32>
      %eq3A_298 = arith.cmpi eq, %get3A_295, %eq3A_297 : vector<16xi32>
      %or3A_299 = arith.ori %or3A_292, %eq3A_298 : vector<16xi1>
      %get3A_300 = arith.index_cast %add3A_230 : i32 to index
      %get3A_301 = arith.constant 112 : index
      %get3A_302 = tpu.vector_load %arg5[%get3A_300, %get3A_301] {strides = array<i32>} : memref<200x128xi32, #tpu.memory_space<vmem>>, vector<16xi32>,
      %eq3A_303 = arith.constant 0 : i32
      %eq3A_304 = vector.broadcast %eq3A_303 : i32 to vector<16xi32>
      %eq3A_305 = arith.cmpi eq, %get3A_302, %eq3A_304 : vector<16xi32>
      %or3A_306 = arith.ori %or3A_299, %eq3A_305 : vector<16xi1>
      %all_reduce_population_count3A_307 = tpu.all_reduce %or3A_306 {dim = 0 : i64, kind = #tpu.reduction_kind<sum>} : vector<16xi1> -> vector<16xi32>
      %slice3A_308 = vector.extract_strided_slice %all_reduce_population_count3A_307 {offsets = [0], sizes = [1], strides = [1]} : vector<16xi32> to vector<1xi32>
      %squeeze3A_309 = vector.extract %slice3A_308[0] : i32 from vector<1xi32>
      %gt3A_310 = arith.constant 0 : i32
      %gt3A_311 = arith.cmpi sgt, %squeeze3A_309, %gt3A_310 : i32
      %convert_element_type3A_312 = arith.extui %gt3A_311 : i1 to i32
      %cond3A_313 = arith.constant 0 : i32
      %cond3A_314 = arith.cmpi ne, %convert_element_type3A_312, %cond3A_313 : i32
      scf.if %cond3A_314 {
        %scan3A_417 = arith.constant 0 : i32
        %scan3A_418 = arith.constant 0 : i32
        %scan3A_419 = arith.constant 8 : i32
        %scan3A_420 = arith.addi %scan3A_418, %scan3A_419 : i32
        %scan3A_421 = arith.constant 1 : i32
        scf.for %scan3A_423 = %scan3A_418 to %scan3A_420 step %scan3A_421  : i32 {
          %mul3A_424 = arith.constant 16 : i32
          %mul3A_425 = arith.muli %scan3A_423, %mul3A_424 : i32
          %get3A_426 = arith.index_cast %add3A_230 : i32 to index
          %get3A_427 = arith.index_cast %mul3A_425 : i32 to index
          %get3A_428 = tpu.vector_load %arg5[%get3A_426, %get3A_427] {strides = array<i32>} : memref<200x128xi32, #tpu.memory_space<vmem>>, vector<16xi32>,
          %eq3A_429 = arith.constant 0 : i32
          %eq3A_430 = vector.broadcast %eq3A_429 : i32 to vector<16xi32>
          %eq3A_431 = arith.cmpi eq, %get3A_428, %eq3A_430 : vector<16xi32>
          %mul3A_432 = arith.constant 16 : i32
          %mul3A_433 = arith.muli %scan3A_423, %mul3A_432 : i32
          %iota3A = tpu.iota {dimensions = array<i32: 0>} : vector<16xi32>
          %add3A_434 = vector.broadcast %mul3A_433 : i32 to vector<16xi32>
          %add3A_435 = arith.addi %add3A_434, %iota3A : vector<16xi32>
          %all_reduce_population_count3A_436 = tpu.all_reduce %eq3A_431 {dim = 0 : i64, kind = #tpu.reduction_kind<sum>} : vector<16xi1> -> vector<16xi32>
          %slice3A_437 = vector.extract_strided_slice %all_reduce_population_count3A_436 {offsets = [0], sizes = [1], strides = [1]} : vector<16xi32> to vector<1xi32>
          %squeeze3A_438 = vector.extract %slice3A_437[0] : i32 from vector<1xi32>
          %gt3A_439 = arith.constant 0 : i32
          %gt3A_440 = arith.cmpi sgt, %squeeze3A_438, %gt3A_439 : i32
          %convert_element_type3A_441 = arith.extui %gt3A_440 : i1 to i32
          %cond3A_442 = arith.constant 0 : i32
          %cond3A_443 = arith.cmpi ne, %convert_element_type3A_441, %cond3A_442 : i32
          scf.if %cond3A_443 {
            %scan3A_444 = arith.constant 0 : i32
            %scan3A_445 = arith.constant 0 : i32
            %scan3A_446 = arith.constant 64 : i32
            %scan3A_447 = arith.addi %scan3A_445, %scan3A_446 : i32
            %scan3A_448 = arith.constant 1 : i32
            scf.for %scan3A_450 = %scan3A_445 to %scan3A_447 step %scan3A_448  : i32 {
              %broadcast_in_dim3A = arith.constant 0 : i32
              %broadcast_in_dim3A_451 = vector.broadcast %broadcast_in_dim3A : i32 to vector<16xi32>
              %add3A_452 = vector.broadcast %scan3A_450 : i32 to vector<16xi32>
              %add3A_453 = arith.addi %broadcast_in_dim3A_451, %add3A_452 : vector<16xi32>
              %broadcast_in_dim3A_454 = arith.constant 0.000000e+00 : f32
              %broadcast_in_dim3A_455 = vector.broadcast %broadcast_in_dim3A_454 : f32 to vector<16xf32>
              tpu.vector_store_idx %arg8[%add3A_435, %add3A_453], %broadcast_in_dim3A_455 masked %eq3A_431 : memref<128x128xf32, #tpu.memory_space<vmem>>[vector<16xi32>, vector<16xi32>], vector<16xf32>, vector<16xi1>
            }
            %scan3A_449 = arith.constant 64 : i32
          } else {
          }
        }
        %scan3A_422 = arith.constant 8 : i32
      } else {
      }
      %mul3A_315 = arith.constant 128 : i32
      %mul3A_316 = arith.muli %add3A_230, %mul3A_315 : i32
      %add3A_317 = arith.addi %mul3A_2, %mul3A_316 : i32
      %dma_start3A_318 = arith.constant 0 : i32
      %dma_start3A_319 = tpu.memref_slice %arg4[%add3A_317, %dma_start3A_318] : memref<819200x128xf32, #tpu.memory_space<hbm>> -> memref<128x128xf32, #tpu.memory_space<hbm>>
      %dma_start3A_320 = arith.constant 0 : i32
      %dma_start3A_321 = tpu.memref_slice %arg4[%add3A_317, %dma_start3A_320] : memref<819200x128xf32, #tpu.memory_space<hbm>> -> memref<128x128xf32, #tpu.memory_space<hbm>>
      tpu.enqueue_dma source(%arg8 : memref<128x128xf32, #tpu.memory_space<vmem>>) target(%dma_start3A_321 : memref<128x128xf32, #tpu.memory_space<hbm>>) target_semaphore(%arg13 : memref<!tpu.dma_semaphore, #tpu.memory_space<semaphore_mem>>)
      %mul3A_322 = arith.constant 4 : i32
      %mul3A_323 = arith.muli %mul3A_322, %add3A_47 : i32
      %add3A_324 = arith.constant 3 : i32
      %add3A_325 = arith.addi %mul3A_323, %add3A_324 : i32
      %lt3A_326 = arith.constant 49 : i32
      %lt3A_327 = arith.cmpi slt, %add3A_47, %lt3A_326 : i32
      %or3A_328 = arith.constant false
      %or3A_329 = arith.ori %lt3A_327, %or3A_328 : i1
      %gt3A_330 = arith.constant 0 : i32
      %gt3A_331 = arith.cmpi sgt, %add3A_47, %gt3A_330 : i32
      %or3A_332 = arith.constant true
      %or3A_333 = arith.ori %gt3A_331, %or3A_332 : i1
      %dma_wait3A_334 = arith.constant 0 : i32
      %dma_wait3A_335 = tpu.memref_slice %arg5[%add3A_325, %dma_wait3A_334] : memref<200x128xi32, #tpu.memory_space<vmem>> -> memref<1x128xi32, #tpu.memory_space<vmem>>
      %dma_wait3A_336 = tpu.memref_squeeze %dma_wait3A_335 : memref<1x128xi32, #tpu.memory_space<vmem>> -> memref<128xi32, #tpu.memory_space<vmem>>
      %dma_wait3A_337 = arith.constant 0 : i32
      %dma_wait3A_338 = arith.constant 0 : i32
      %dma_wait3A_339 = tpu.memref_slice %arg2[%dma_wait3A_337, %dma_wait3A_338] : memref<1000000x128xf32, #tpu.memory_space<hbm>> -> memref<1000000x128xf32, #tpu.memory_space<hbm>>
      tpu.wait_indirect_dma semaphore(%arg10 : memref<!tpu.dma_semaphore, #tpu.memory_space<semaphore_mem>>) src(%dma_wait3A_339 : memref<1000000x128xf32, #tpu.memory_space<hbm>>) dst(%arg9 : memref<128x128xf32, #tpu.memory_space<vmem>>)
      %and3A_340 = arith.andi %or3A_333, %or3A_329 : i1
      %convert_element_type3A_341 = arith.extui %and3A_340 : i1 to i32
      %cond3A_342 = arith.constant 0 : i32
      %cond3A_343 = arith.cmpi ne, %convert_element_type3A_341, %cond3A_342 : i32
      scf.if %cond3A_343 {
        %dma_wait3A_417 = arith.constant 0 : i32
        %dma_wait3A_418 = arith.constant 0 : i32
        %dma_wait3A_419 = tpu.memref_slice %arg4[%dma_wait3A_417, %dma_wait3A_418] : memref<819200x128xf32, #tpu.memory_space<hbm>> -> memref<128x128xf32, #tpu.memory_space<hbm>>
        %dma_wait3A_420 = arith.constant 0 : i32
        %dma_wait3A_421 = arith.constant 0 : i32
        %dma_wait3A_422 = tpu.memref_slice %arg4[%dma_wait3A_420, %dma_wait3A_421] : memref<819200x128xf32, #tpu.memory_space<hbm>> -> memref<128x128xf32, #tpu.memory_space<hbm>>
        tpu.wait_dma2 semaphore(%arg12 : memref<!tpu.dma_semaphore, #tpu.memory_space<semaphore_mem>>) src(%arg7 : memref<128x128xf32, #tpu.memory_space<vmem>>) dst(%dma_wait3A_422 : memref<128x128xf32, #tpu.memory_space<hbm>>)
      } else {
      }
      %convert_element_type3A_344 = arith.extui %or3A_329 : i1 to i32
      %cond3A_345 = arith.constant 0 : i32
      %cond3A_346 = arith.cmpi ne, %convert_element_type3A_344, %cond3A_345 : i32
      scf.if %cond3A_346 {
        %add3A_417 = arith.constant 2 : i32
        %add3A_418 = arith.addi %add3A_325, %add3A_417 : i32
        %dma_start3A_419 = arith.constant 0 : i32
        %dma_start3A_420 = tpu.memref_slice %arg5[%add3A_418, %dma_start3A_419] : memref<200x128xi32, #tpu.memory_space<vmem>> -> memref<1x128xi32, #tpu.memory_space<vmem>>
        %dma_start3A_421 = tpu.memref_squeeze %dma_start3A_420 : memref<1x128xi32, #tpu.memory_space<vmem>> -> memref<128xi32, #tpu.memory_space<vmem>>
        %dma_start3A_422 = arith.constant 0 : i32
        %dma_start3A_423 = arith.constant 0 : i32
        %dma_start3A_424 = tpu.memref_slice %arg2[%dma_start3A_422, %dma_start3A_423] : memref<1000000x128xf32, #tpu.memory_space<hbm>> -> memref<1000000x128xf32, #tpu.memory_space<hbm>>
        tpu.enqueue_indirect_dma source(%dma_start3A_424 : memref<1000000x128xf32, #tpu.memory_space<hbm>>) target(%arg7 : memref<128x128xf32, #tpu.memory_space<vmem>>) offsets(%dma_start3A_421 : memref<128xi32, #tpu.memory_space<vmem>>) semaphore(%arg10 : memref<!tpu.dma_semaphore, #tpu.memory_space<semaphore_mem>>)
      } else {
      }
      %get3A_347 = arith.index_cast %add3A_325 : i32 to index
      %get3A_348 = arith.constant 0 : index
      %get3A_349 = tpu.vector_load %arg5[%get3A_347, %get3A_348] {strides = array<i32>} : memref<200x128xi32, #tpu.memory_space<vmem>>, vector<16xi32>,
      %eq3A_350 = arith.constant 0 : i32
      %eq3A_351 = vector.broadcast %eq3A_350 : i32 to vector<16xi32>
      %eq3A_352 = arith.cmpi eq, %get3A_349, %eq3A_351 : vector<16xi32>
      %get3A_353 = arith.index_cast %add3A_325 : i32 to index
      %get3A_354 = arith.constant 16 : index
      %get3A_355 = tpu.vector_load %arg5[%get3A_353, %get3A_354] {strides = array<i32>} : memref<200x128xi32, #tpu.memory_space<vmem>>, vector<16xi32>,
      %eq3A_356 = arith.constant 0 : i32
      %eq3A_357 = vector.broadcast %eq3A_356 : i32 to vector<16xi32>
      %eq3A_358 = arith.cmpi eq, %get3A_355, %eq3A_357 : vector<16xi32>
      %or3A_359 = arith.ori %eq3A_352, %eq3A_358 : vector<16xi1>
      %get3A_360 = arith.index_cast %add3A_325 : i32 to index
      %get3A_361 = arith.constant 32 : index
      %get3A_362 = tpu.vector_load %arg5[%get3A_360, %get3A_361] {strides = array<i32>} : memref<200x128xi32, #tpu.memory_space<vmem>>, vector<16xi32>,
      %eq3A_363 = arith.constant 0 : i32
      %eq3A_364 = vector.broadcast %eq3A_363 : i32 to vector<16xi32>
      %eq3A_365 = arith.cmpi eq, %get3A_362, %eq3A_364 : vector<16xi32>
      %or3A_366 = arith.ori %or3A_359, %eq3A_365 : vector<16xi1>
      %get3A_367 = arith.index_cast %add3A_325 : i32 to index
      %get3A_368 = arith.constant 48 : index
      %get3A_369 = tpu.vector_load %arg5[%get3A_367, %get3A_368] {strides = array<i32>} : memref<200x128xi32, #tpu.memory_space<vmem>>, vector<16xi32>,
      %eq3A_370 = arith.constant 0 : i32
      %eq3A_371 = vector.broadcast %eq3A_370 : i32 to vector<16xi32>
      %eq3A_372 = arith.cmpi eq, %get3A_369, %eq3A_371 : vector<16xi32>
      %or3A_373 = arith.ori %or3A_366, %eq3A_372 : vector<16xi1>
      %get3A_374 = arith.index_cast %add3A_325 : i32 to index
      %get3A_375 = arith.constant 64 : index
      %get3A_376 = tpu.vector_load %arg5[%get3A_374, %get3A_375] {strides = array<i32>} : memref<200x128xi32, #tpu.memory_space<vmem>>, vector<16xi32>,
      %eq3A_377 = arith.constant 0 : i32
      %eq3A_378 = vector.broadcast %eq3A_377 : i32 to vector<16xi32>
      %eq3A_379 = arith.cmpi eq, %get3A_376, %eq3A_378 : vector<16xi32>
      %or3A_380 = arith.ori %or3A_373, %eq3A_379 : vector<16xi1>
      %get3A_381 = arith.index_cast %add3A_325 : i32 to index
      %get3A_382 = arith.constant 80 : index
      %get3A_383 = tpu.vector_load %arg5[%get3A_381, %get3A_382] {strides = array<i32>} : memref<200x128xi32, #tpu.memory_space<vmem>>, vector<16xi32>,
      %eq3A_384 = arith.constant 0 : i32
      %eq3A_385 = vector.broadcast %eq3A_384 : i32 to vector<16xi32>
      %eq3A_386 = arith.cmpi eq, %get3A_383, %eq3A_385 : vector<16xi32>
      %or3A_387 = arith.ori %or3A_380, %eq3A_386 : vector<16xi1>
      %get3A_388 = arith.index_cast %add3A_325 : i32 to index
      %get3A_389 = arith.constant 96 : index
      %get3A_390 = tpu.vector_load %arg5[%get3A_388, %get3A_389] {strides = array<i32>} : memref<200x128xi32, #tpu.memory_space<vmem>>, vector<16xi32>,
      %eq3A_391 = arith.constant 0 : i32
      %eq3A_392 = vector.broadcast %eq3A_391 : i32 to vector<16xi32>
      %eq3A_393 = arith.cmpi eq, %get3A_390, %eq3A_392 : vector<16xi32>
      %or3A_394 = arith.ori %or3A_387, %eq3A_393 : vector<16xi1>
      %get3A_395 = arith.index_cast %add3A_325 : i32 to index
      %get3A_396 = arith.constant 112 : index
      %get3A_397 = tpu.vector_load %arg5[%get3A_395, %get3A_396] {strides = array<i32>} : memref<200x128xi32, #tpu.memory_space<vmem>>, vector<16xi32>,
      %eq3A_398 = arith.constant 0 : i32
      %eq3A_399 = vector.broadcast %eq3A_398 : i32 to vector<16xi32>
      %eq3A_400 = arith.cmpi eq, %get3A_397, %eq3A_399 : vector<16xi32>
      %or3A_401 = arith.ori %or3A_394, %eq3A_400 : vector<16xi1>
      %all_reduce_population_count3A_402 = tpu.all_reduce %or3A_401 {dim = 0 : i64, kind = #tpu.reduction_kind<sum>} : vector<16xi1> -> vector<16xi32>
      %slice3A_403 = vector.extract_strided_slice %all_reduce_population_count3A_402 {offsets = [0], sizes = [1], strides = [1]} : vector<16xi32> to vector<1xi32>
      %squeeze3A_404 = vector.extract %slice3A_403[0] : i32 from vector<1xi32>
      %gt3A_405 = arith.constant 0 : i32
      %gt3A_406 = arith.cmpi sgt, %squeeze3A_404, %gt3A_405 : i32
      %convert_element_type3A_407 = arith.extui %gt3A_406 : i1 to i32
      %cond3A_408 = arith.constant 0 : i32
      %cond3A_409 = arith.cmpi ne, %convert_element_type3A_407, %cond3A_408 : i32
      scf.if %cond3A_409 {
        %scan3A_417 = arith.constant 0 : i32
        %scan3A_418 = arith.constant 0 : i32
        %scan3A_419 = arith.constant 8 : i32
        %scan3A_420 = arith.addi %scan3A_418, %scan3A_419 : i32
        %scan3A_421 = arith.constant 1 : i32
        scf.for %scan3A_423 = %scan3A_418 to %scan3A_420 step %scan3A_421  : i32 {
          %mul3A_424 = arith.constant 16 : i32
          %mul3A_425 = arith.muli %scan3A_423, %mul3A_424 : i32
          %get3A_426 = arith.index_cast %add3A_325 : i32 to index
          %get3A_427 = arith.index_cast %mul3A_425 : i32 to index
          %get3A_428 = tpu.vector_load %arg5[%get3A_426, %get3A_427] {strides = array<i32>} : memref<200x128xi32, #tpu.memory_space<vmem>>, vector<16xi32>,
          %eq3A_429 = arith.constant 0 : i32
          %eq3A_430 = vector.broadcast %eq3A_429 : i32 to vector<16xi32>
          %eq3A_431 = arith.cmpi eq, %get3A_428, %eq3A_430 : vector<16xi32>
          %mul3A_432 = arith.constant 16 : i32
          %mul3A_433 = arith.muli %scan3A_423, %mul3A_432 : i32
          %iota3A = tpu.iota {dimensions = array<i32: 0>} : vector<16xi32>
          %add3A_434 = vector.broadcast %mul3A_433 : i32 to vector<16xi32>
          %add3A_435 = arith.addi %add3A_434, %iota3A : vector<16xi32>
          %all_reduce_population_count3A_436 = tpu.all_reduce %eq3A_431 {dim = 0 : i64, kind = #tpu.reduction_kind<sum>} : vector<16xi1> -> vector<16xi32>
          %slice3A_437 = vector.extract_strided_slice %all_reduce_population_count3A_436 {offsets = [0], sizes = [1], strides = [1]} : vector<16xi32> to vector<1xi32>
          %squeeze3A_438 = vector.extract %slice3A_437[0] : i32 from vector<1xi32>
          %gt3A_439 = arith.constant 0 : i32
          %gt3A_440 = arith.cmpi sgt, %squeeze3A_438, %gt3A_439 : i32
          %convert_element_type3A_441 = arith.extui %gt3A_440 : i1 to i32
          %cond3A_442 = arith.constant 0 : i32
          %cond3A_443 = arith.cmpi ne, %convert_element_type3A_441, %cond3A_442 : i32
          scf.if %cond3A_443 {
            %scan3A_444 = arith.constant 0 : i32
            %scan3A_445 = arith.constant 0 : i32
            %scan3A_446 = arith.constant 64 : i32
            %scan3A_447 = arith.addi %scan3A_445, %scan3A_446 : i32
            %scan3A_448 = arith.constant 1 : i32
            scf.for %scan3A_450 = %scan3A_445 to %scan3A_447 step %scan3A_448  : i32 {
              %broadcast_in_dim3A = arith.constant 0 : i32
              %broadcast_in_dim3A_451 = vector.broadcast %broadcast_in_dim3A : i32 to vector<16xi32>
              %add3A_452 = vector.broadcast %scan3A_450 : i32 to vector<16xi32>
              %add3A_453 = arith.addi %broadcast_in_dim3A_451, %add3A_452 : vector<16xi32>
              %broadcast_in_dim3A_454 = arith.constant 0.000000e+00 : f32
              %broadcast_in_dim3A_455 = vector.broadcast %broadcast_in_dim3A_454 : f32 to vector<16xf32>
              tpu.vector_store_idx %arg9[%add3A_435, %add3A_453], %broadcast_in_dim3A_455 masked %eq3A_431 : memref<128x128xf32, #tpu.memory_space<vmem>>[vector<16xi32>, vector<16xi32>], vector<16xf32>, vector<16xi1>
            }
            %scan3A_449 = arith.constant 64 : i32
          } else {
          }
        }
        %scan3A_422 = arith.constant 8 : i32
      } else {
      }
      %mul3A_410 = arith.constant 128 : i32
      %mul3A_411 = arith.muli %add3A_325, %mul3A_410 : i32
      %add3A_412 = arith.addi %mul3A_2, %mul3A_411 : i32
      %dma_start3A_413 = arith.constant 0 : i32
      %dma_start3A_414 = tpu.memref_slice %arg4[%add3A_412, %dma_start3A_413] : memref<819200x128xf32, #tpu.memory_space<hbm>> -> memref<128x128xf32, #tpu.memory_space<hbm>>
      %dma_start3A_415 = arith.constant 0 : i32
      %dma_start3A_416 = tpu.memref_slice %arg4[%add3A_412, %dma_start3A_415] : memref<819200x128xf32, #tpu.memory_space<hbm>> -> memref<128x128xf32, #tpu.memory_space<hbm>>
      tpu.enqueue_dma source(%arg9 : memref<128x128xf32, #tpu.memory_space<vmem>>) target(%dma_start3A_416 : memref<128x128xf32, #tpu.memory_space<hbm>>) target_semaphore(%arg14 : memref<!tpu.dma_semaphore, #tpu.memory_space<semaphore_mem>>)
    }
    %scan3A_19 = arith.constant 50 : i32
    %dma_wait3A = arith.constant 0 : i32
    %dma_wait3A_20 = arith.constant 0 : i32
    %dma_wait3A_21 = tpu.memref_slice %arg4[%dma_wait3A, %dma_wait3A_20] : memref<819200x128xf32, #tpu.memory_space<hbm>> -> memref<128x128xf32, #tpu.memory_space<hbm>>
    %dma_wait3A_22 = arith.constant 0 : i32
    %dma_wait3A_23 = arith.constant 0 : i32
    %dma_wait3A_24 = tpu.memref_slice %arg4[%dma_wait3A_22, %dma_wait3A_23] : memref<819200x128xf32, #tpu.memory_space<hbm>> -> memref<128x128xf32, #tpu.memory_space<hbm>>
    tpu.wait_dma2 semaphore(%arg11 : memref<!tpu.dma_semaphore, #tpu.memory_space<semaphore_mem>>) src(%arg6 : memref<128x128xf32, #tpu.memory_space<vmem>>) dst(%dma_wait3A_24 : memref<128x128xf32, #tpu.memory_space<hbm>>)
    %dma_wait3A_25 = arith.constant 0 : i32
    %dma_wait3A_26 = arith.constant 0 : i32
    %dma_wait3A_27 = tpu.memref_slice %arg4[%dma_wait3A_25, %dma_wait3A_26] : memref<819200x128xf32, #tpu.memory_space<hbm>> -> memref<128x128xf32, #tpu.memory_space<hbm>>
    %dma_wait3A_28 = arith.constant 0 : i32
    %dma_wait3A_29 = arith.constant 0 : i32
    %dma_wait3A_30 = tpu.memref_slice %arg4[%dma_wait3A_28, %dma_wait3A_29] : memref<819200x128xf32, #tpu.memory_space<hbm>> -> memref<128x128xf32, #tpu.memory_space<hbm>>
    tpu.wait_dma2 semaphore(%arg12 : memref<!tpu.dma_semaphore, #tpu.memory_space<semaphore_mem>>) src(%arg7 : memref<128x128xf32, #tpu.memory_space<vmem>>) dst(%dma_wait3A_30 : memref<128x128xf32, #tpu.memory_space<hbm>>)
    %dma_wait3A_31 = arith.constant 0 : i32
    %dma_wait3A_32 = arith.constant 0 : i32
    %dma_wait3A_33 = tpu.memref_slice %arg4[%dma_wait3A_31, %dma_wait3A_32] : memref<819200x128xf32, #tpu.memory_space<hbm>> -> memref<128x128xf32, #tpu.memory_space<hbm>>
    %dma_wait3A_34 = arith.constant 0 : i32
    %dma_wait3A_35 = arith.constant 0 : i32
    %dma_wait3A_36 = tpu.memref_slice %arg4[%dma_wait3A_34, %dma_wait3A_35] : memref<819200x128xf32, #tpu.memory_space<hbm>> -> memref<128x128xf32, #tpu.memory_space<hbm>>
    tpu.wait_dma2 semaphore(%arg13 : memref<!tpu.dma_semaphore, #tpu.memory_space<semaphore_mem>>) src(%arg8 : memref<128x128xf32, #tpu.memory_space<vmem>>) dst(%dma_wait3A_36 : memref<128x128xf32, #tpu.memory_space<hbm>>)
    %dma_wait3A_37 = arith.constant 0 : i32
    %dma_wait3A_38 = arith.constant 0 : i32
    %dma_wait3A_39 = tpu.memref_slice %arg4[%dma_wait3A_37, %dma_wait3A_38] : memref<819200x128xf32, #tpu.memory_space<hbm>> -> memref<128x128xf32, #tpu.memory_space<hbm>>
    %dma_wait3A_40 = arith.constant 0 : i32
    %dma_wait3A_41 = arith.constant 0 : i32
    %dma_wait3A_42 = tpu.memref_slice %arg4[%dma_wait3A_40, %dma_wait3A_41] : memref<819200x128xf32, #tpu.memory_space<hbm>> -> memref<128x128xf32, #tpu.memory_space<hbm>>
    tpu.wait_dma2 semaphore(%arg14 : memref<!tpu.dma_semaphore, #tpu.memory_space<semaphore_mem>>) src(%arg9 : memref<128x128xf32, #tpu.memory_space<vmem>>) dst(%dma_wait3A_42 : memref<128x128xf32, #tpu.memory_space<hbm>>)
    return
  }
}

</mosaic_0001>

<sc_bundles>
// kernel: kernel.3.cloned.1.call-start
scs
__scs_entry_jumppad:
0x0: {  	(pc) =	sbr.rel $0x88, $3  }
0x1: {  	(tag) =	ssettag $0x0;
	lr =	simm.s32 $0x1  }
0x2: {  	[smem:$0x3F9F] =	sst lr;
	_ =	strace $0xD0000000  }
0x3: {  	_ = 	snop  }
0x4: {  	_ = 	snop  }
0x5: {  	_ = 	snop  }
0x6: {  	_ = 	snop  }
0x7: {  	_ = 	snop  }
__scs_overlays_trampoline_lowered:
0x8: {  	[smem:$0x3FAE] =	sst s0  }
0x9: {  	[smem:$0x3FAF] =	sst s1  }
0xa: {  	[smem:$0x3FB0] =	sst s2  }
0xb: {  	[smem:$0x3FB1] =	sst s3  }
0xc: {  	[smem:$0x3FB2] =	sst s4  }
0xd: {  	[smem:$0x3FB3] =	sst s5  }
0xe: {  	[smem:$0x3FB4] =	sst s6  }
0xf: {  	[smem:$0x3FB5] =	sst s7  }
0x10: {  	[smem:$0x3FB6] =	sst s8  }
0x11: {  	[smem:$0x3FB7] =	sst s9;
	s0 =	simm.s32 @!p0 $0x0  }
0x12: {  	s1 =	sld [smem:$0x3F9D];
	s0 =	simm.s32 @p0 $0x1  }
0x13: {  	[smem:$0x3FB8] =	sst s0;
	s0 =	simm.s32 @!p1 $0x0  }
0x14: {  	s2 =	sld [smem:$0x3F9C];
	s0 =	simm.s32 @p1 $0x1  }
0x15: {  	[smem:$0x3FB9] =	sst s0;
	s0 =	simm.s32 @!p2 $0x0  }
0x16: {  	s3 =	sld [smem:$0x3FDB];
	s0 =	simm.s32 @p2 $0x1  }
0x17: {  	s4 =	simm.s32 $0x1BF5;
	[smem:$0x3FBB] =	sst s0  }
0x18: {  	s0 =	sld [smem:$0x3F9E];
	_ =	swait.ge [sflag:s4], $0x0  }
0x19: {  	s7 =	sld [smem:$0x3F9F]  }
0x1a: {  	s8 =	sadd.s32 $0xFFFFE003, lr  }
0x1b: {  	s9 =	sadd.s32 $0xFFFFFEF7, lr;
	s5 =	simm.s32 $0xFFFFFFFF;
	p2 =	slt.u32 s8, $0xFFFFF086  }
0x1c: {  	p1 =	slt.u32 s9, $0xF7A;
	s5 =	simm.s32 @!p2 $0x0  }
0x1d: {  	s5 =	simm.s32 @p1 $0x1;
	p0 =	seq.s32 s7, s2  }
0x1e: {  	s7 =	smul.u32 @!p0 $0xF7A, s2;
	p2 =	seq.s32 @!p0 s5, $0x0  }
0x1f: {  	s9 =	smul.u32 $0xF7A, s1;
	s8 =	simm.s32 @!p0 $0x1BF5;
	p2 =	por !p2, p0  }
0x20: {  	[sflag:s8] =	ssyncset.s32 @!p0 $0xFFFFF086;
	s6 =	sadd.s32 @!p0 s3, s7;
	s7 =	simm.s32 @!p0 $0x108  }
0x21: {  	s3 =	sadd.s32 s3, s9;
	s6 =	sadd.s32 @!p0 $0x88, s6;
	s7 =	simm.s32 @p2 $0x1082  }
0x22: {  	[simem:s7], [sflag:s8] =	dma.local @!p0 [hbm:s6], $0xF7A  }
0x23: {  	s9 =	sor.u32 $0xD0000000, s2;
	s6 =	simm.s32 $0x108;
	_ =	swait.ge @!p0 [sflag:s8], $0x0  }
0x24: {  	s3 =	sadd.s32 $0x88, s3;
	s6 =	simm.s32 @!p1 $0x1082;
	[sflag:s4] =	ssyncset.s32 $0xFFFFF086  }
0x25: {  	[simem:s6], [sflag:s4] =	dma.local [hbm:s3], $0xF7A  }
0x26: {  	[smem:$0x3F9F] =	sst s1;
	(tag) =	ssettag s2;
	_ =	strace s9  }
0x27: {  	s1 =	sld [smem:$0x3FAF]  }
0x28: {  	s2 =	sld [smem:$0x3FB0]  }
0x29: {  	s4 =	sld [smem:$0x3FB2]  }
0x2a: {  	p0 =	seq.s32 s5, $0x0;
	s5 =	sld [smem:$0x3FB3]  }
0x2b: {  	s6 =	sld [smem:$0x3FB4]  }
0x2c: {  	s7 =	sld [smem:$0x3FB5]  }
0x2d: {  	s3 =	simm.s32 $0x108;
	s8 =	sld [smem:$0x3FB6]  }
0x2e: {  	s3 =	simm.s32 @!p0 $0x1082;
	s9 =	sld [smem:$0x3FB7]  }
0x2f: {  	lr =	sadd.s32 s0, s3;
	s0 =	sld [smem:$0x3FAE]  }
0x30: {  	s3 =	sld [smem:$0x3FB1]  }
0x31: {  	[smem:$0x3FBA] =	sst s10  }
0x32: {  	s10 =	sld [smem:$0x3FB8];
	_ =	sdelay $0x3  }
0x33: {  	p0 =	seq.s32 s10, $0x1;
	s10 =	sld [smem:$0x3FBA];
	_ =	sdelay $0x3  }
0x34: {  	[smem:$0x3FBA] =	sst s10  }
0x35: {  	s10 =	sld [smem:$0x3FB9];
	_ =	sdelay $0x3  }
0x36: {  	p1 =	seq.s32 s10, $0x1;
	s10 =	sld [smem:$0x3FBA];
	_ =	sdelay $0x3  }
0x37: {  	[smem:$0x3FBA] =	sst s10  }
0x38: {  	s10 =	sld [smem:$0x3FBB]  }
0x39: {  	_ = 	snop;
	(pc) =	sbr.ind lr, $3  }
0x3a: {  	_ = 	snop  }
0x3b: {  	_ = 	snop  }
0x3c: {  	p2 =	seq.s32 s10, $0x1;
	s10 =	sld [smem:$0x3FBA]  }
0x3d: {  	_ =	shalt  }
0x3e: {  	_ =	shalt  }
0x3f: {  	_ =	shalt  }
0x40: {  	_ =	shalt  }
0x41: {  	_ =	shalt  }
0x42: {  	_ =	shalt  }
0x43: {  	_ =	shalt  }
0x44: {  	_ =	shalt  }
0x45: {  	_ =	shalt  }
0x46: {  	_ =	shalt  }
0x47: {  	_ =	shalt  }
0x48: {  	_ =	shalt  }
0x49: {  	_ =	shalt  }
0x4a: {  	_ =	shalt  }
0x4b: {  	_ =	shalt  }
0x4c: {  	_ =	shalt  }
0x4d: {  	_ =	shalt  }
0x4e: {  	_ =	shalt  }
0x4f: {  	_ =	shalt  }
0x50: {  	_ =	shalt  }
0x51: {  	_ =	shalt  }
0x52: {  	_ =	shalt  }
0x53: {  	_ =	shalt  }
0x54: {  	_ =	shalt  }
0x55: {  	_ =	shalt  }
0x56: {  	_ =	shalt  }
0x57: {  	_ =	shalt  }
0x58: {  	_ =	shalt  }
0x59: {  	_ =	shalt  }
0x5a: {  	_ =	shalt  }
0x5b: {  	_ =	shalt  }
0x5c: {  	_ =	shalt  }
0x5d: {  	_ =	shalt  }
0x5e: {  	_ =	shalt  }
0x5f: {  	_ =	shalt  }
0x60: {  	_ =	shalt  }
0x61: {  	_ =	shalt  }
0x62: {  	_ =	shalt  }
0x63: {  	_ =	shalt  }
0x64: {  	_ =	shalt  }
0x65: {  	_ =	shalt  }
0x66: {  	_ =	shalt  }
0x67: {  	_ =	shalt  }
0x68: {  	_ =	shalt  }
0x69: {  	_ =	shalt  }
0x6a: {  	_ =	shalt  }
0x6b: {  	_ =	shalt  }
0x6c: {  	_ =	shalt  }
0x6d: {  	_ =	shalt  }
0x6e: {  	_ =	shalt  }
0x6f: {  	_ =	shalt  }
0x70: {  	_ =	shalt  }
0x71: {  	_ =	shalt  }
0x72: {  	_ =	shalt  }
0x73: {  	_ =	shalt  }
0x74: {  	_ =	shalt  }
0x75: {  	_ =	shalt  }
0x76: {  	_ =	shalt  }
0x77: {  	_ =	shalt  }
0x78: {  	_ =	shalt  }
0x79: {  	_ =	shalt  }
0x7a: {  	_ =	shalt  }
0x7b: {  	_ =	shalt  }
0x7c: {  	_ =	shalt  }
0x7d: {  	_ =	shalt  }
0x7e: {  	_ =	shalt  }
0x7f: {  	_ =	shalt  }
0x80: {  	_ =	shalt  }
0x81: {  	_ =	shalt  }
0x82: {  	_ =	shalt  }
0x83: {  	_ =	shalt  }
0x84: {  	_ =	shalt  }
0x85: {  	_ =	shalt  }
0x86: {  	_ =	shalt  }
0x87: {  	_ =	shalt  }
.Lfunc_end0:
.L_simem_size_0:
called_computation.1_lowered:
.L_overlay_start_0:
0x88: {  	s2 =	sld [smem:$0x3FD9]  }
0x89: {  	s3 =	sld [smem:$0x3FFE];
	_ =	sdelay $0x1  }
0x8a: {  	s1 =	srdreg.scid  }
0x8b: {  	s0 =	sand.u32 $0x1, s1  }
0x8c: {  	s17 =	sshll.u32 s0, $0xA;
	s2 =	sadd.s32 s3, s2  }
0x8d: {  	s2 =	sadd.s32 s2, s17  }
0x8e: {  	[smem:$0x3FC6] =	sst s2  }
0x8f: {  	_ = 	snop  }
0x90: {  	s2 =	sld [smem:$0x3FD0];
	(tm) =	ssettm $0x1  }
0x91: {  	s18 =	sld [smem:$0x3FFB];
	_ =	sdelay $0x3  }
0x92: {  	_ =	strace s18  }
0x93: {  	s3 =	sld [smem:$0x3FFC];
	_ =	sdelay $0x3  }
0x94: {  	_ =	strace s3  }
0x95: {  	s3 =	sld [smem:$0x3FFD];
	_ =	sdelay $0x3  }
0x96: {  	_ =	strace s3  }
0x97: {  	_ =	strace $0x8FFFFFFF  }
0x98: {  	s19 =	sld [smem:$0x3FDB];
	_ =	sdelay $0x1  }
0x99: {  	s4 =	simm.s32 $_scs_section_size  }
0x9a: {  	s5 =	simm.s32 $_size__tile_overlayer_lowered;
	s6 =	simm.s32 $_tile_overlayer_lowered  }
0x9b: {  	s22 =	simm.s32 $0x1BFF;
	s21 =	sshll.u32 s6, $0x1;
	s3 =	sadd.s32 s4, s19  }
0x9c: {  	s7 =	simm.s32 $0x0;
	s20 =	sshll.u32 s5, $0x1;
	s5 =	sadd.s32 s21, s3  }
0x9d: {  	[timem:s7], [sflag:s22] =	dma.local [hbm:s5], s20  }
0x9e: {  	_ =	swait.ge [sflag:s22], s20  }
0x9f: {  	s4 =	ssub.s32 $0x0, s20;
	[sflag:s22] =	ssyncset.done $0x0  }
0xa0: {  	[sflag:s22] =	ssyncadd.s32 s4;
	_ =	sdelay $0x1  }
0xa1: {  	s23 =	simm.s32 $0x1B8B  }
0xa2: {  	_ =	swait.ge [sflag:s23], $0x1  }
0xa3: {  	[sflag:s23] =	ssyncset.done $0x0  }
0xa4: {  	s25 =	simm.s32 $0x1B8E;
	s24 =	sld [smem:$0x3FFE];
	[sflag:s23] =	ssyncadd.s32 $0xFFFFFFFF  }
0xa5: {  	s26 =	simm.s32 $execute0_lowered;
	[smem:$0x3FD2] =	sst s25  }
0xa6: {  	s5 =	sshll.u32 s26, $0x1;
	_ =	strace $0x80000046;
	[dreg:$0x1] =	wrdreg $0xFFFFFFFF  }
0xa7: {  	s28 =	simm.s32 $_size_execute0_lowered;
	s3 =	sadd.s32 s3, s5;
	[dreg:$0x0] =	wrdreg $0x0  }
0xa8: {  	s5 =	sshll.u32 s28, $0x1;
	[dreg:$0x2] =	wrdreg s3  }
0xa9: {  	[dreg:$0x3] =	wrdreg s5  }
0xaa: {  	[dreg:$0x4] =	wrdreg $0xC0  }
0xab: {  	_ =	task [dreg:s7], $0x5FFFF  }
0xac: {  	[dreg:$0x1] =	wrdreg $0xFFFFFFFF  }
0xad: {  	[dreg:$0x0] =	wrdreg $0x60  }
0xae: {  	[dreg:$0x2] =	wrdreg s24  }
0xaf: {  	[dreg:$0x3] =	wrdreg s2  }
0xb0: {  	[dreg:$0x4] =	wrdreg $0x9  }
0xb1: {  	_ =	task.clear_ibuf [dreg:s7], $0x5FFFF;
	_ =	strace $0x90000046  }
0xb2: {  	s29 =	simm.s32 $0x9;
	_ =	strace $0x80000048  }
0xb3: {  	_ =	swait.ge [sflag:s29], $0x1  }
0xb4: {  	[sflag:s29] =	ssyncadd.s32 $0xFFFFFFFF  }
0xb5: {  	_ =	strace $0x90000048  }
0xb6: {  	_ =	sfence  }
0xb7: {  	s30 =	sld [smem:$0x0];
	_ =	sdelay $0x2  }
0xb8: {  	s31 =	sshll.u32 s1, $0xD;
	s1 =	sshrl.u32 s1, $0x2  }
0xb9: {  	s3 =	sand.u32 $0x4000, s31;
	s1 =	sadd.s32 s1, s30  }
0xba: {  	s0 =	sor.u32 s3, s0;
	s1 =	sshll.u32 s1, $0x11  }
0xbb: {  	s0 =	sor.u32 s1, s0  }
0xbc: {  	s0 =	sadd.s32 $0x8F2B, s0  }
0xbd: {  	[sflag:s0] =	ssyncadd.remote.s32 $0x1  }
0xbe: {  	_ =	sfence.sel $0xFFFF  }
0xbf: {  	[dreg:$0x0] =	wrdreg $0xFFFFFFFF;
	(pc) =	sbr.abs _section_cstart, $3  }
0xc0: {  	[dreg:$0x1] =	wrdreg $0xFFFFFFFF  }
0xc1: {  	_ =	task.clear_ibuf [dreg:s7], $0x2FFFF;
	_ =	strace $0x9FFFFFFF  }
0xc2: {  	(tm) =	ssettm $0x7FFFFFFF  }
0xc3: {  	_ =	shalt  }
tec
execute0_lowered:
.L_overlay_start_1:
0x0: {  	(tag) =	ssettag $0x1  }
0x1: {  	s5 =	rddreg [dreg:$0x0];
	s1 =	srdreg.scid  }
0x2: {  	s0 =	stileid.u32;
	s6 =	rddreg [dreg:$0x1]  }
0x3: {  	s2 =	simm.s32 $0x0;
	s10 =	simm.s32 $0x80;
	s11 =	simm.s32 $0x6400  }
0x4: {  	s12 =	simm.s32 $0xA400;
	s13 =	simm.s32 $0x1;
	s14 =	simm.s32 $0xE400  }
0x5: {  	s15 =	simm.s32 $0x12400;
	s16 =	simm.s32 $0x2;
	s17 =	simm.s32 $0x3  }
0x6: {  	s18 =	simm.s32 $0x4;
	s19 =	simm.s32 $0x5;
	s20 =	simm.s32 $0x0  }
0x7: {  	s3 =	sand.u32 $0x1, s1;
	s4 =	sshll.u32 s0, $0x1;
	s1 =	rddreg [dreg:$0x2]  }
.Ltmp0:
0x8: {  	[smem:$0x7FF] =	sst s2;
	s7 =	sor.u32 s3, s4;
	(pc) =	sbr.rel .LBB2_1-.Ltmp0, $4  }
0x9: {  	s8 =	ssub.s32 $0x2, s3;
	_ =	strace $0x80000047;
	s3 =	smul.u32 $0x6400, s7  }
0xa: {  	s4 =	sadd.s32 $0xF42E00, s5;
	s5 =	sadd.s32 $0xA00, s5;
	s9 =	sshrl.u32 s8, $0x1  }
0xb: {  	v0 =	vlaneseq.u32;
	s7 =	smul.u32 $0x320000, s7;
	s8 =	ssub.s32 s8, s9;
	s31 =	sshrl.u32 s3, $0x3  }
0xc: {  	v1 =	vimm.f32 $0.0e+00;
	v0 =	vmul.u32 $0x80, v0;
	s9 =	simm.s32 $0x6;
	s8 =	smax.u32 s8, $0x1;
	s6 =	sadd.s32 s6, s31  }
.LBB2_27:
0xd: {  	_ =	swait.ge [sflag:s16], $0x4000  }
0xe: {  	[sflag:s16] =	ssyncset.done $0x0  }
0xf: {  	[sflag:s16] =	ssyncadd.s32 $0xFFFFC000  }
0x10: {  	_ =	swait.ge [sflag:s17], $0x4000  }
0x11: {  	[sflag:s17] =	ssyncset.done $0x0  }
0x12: {  	s20 =	sadd.s32 $0x1, s20;
	[sflag:s17] =	ssyncadd.s32 $0xFFFFC000  }
0x13: {  	p0 =	sne.s32 s20, s8;
	_ =	swait.ge [sflag:s18], $0x4000  }
.Ltmp1:
0x14: {  	[sflag:s18] =	ssyncset.done $0x0;
	(pc) =	sbr.rel @!p0 .LBB2_28-.Ltmp1, $4  }
0x15: {  	[sflag:s18] =	ssyncadd.s32 $0xFFFFC000  }
0x16: {  	_ =	swait.ge [sflag:s19], $0x4000  }
0x17: {  	[sflag:s19] =	ssyncset.done $0x0  }
0x18: {  	[sflag:s19] =	ssyncadd.s32 $0xFFFFC000  }
.LBB2_1:
0x19: {  	[tilespmem:s2], [sflag:$0x6] =	stream.linear.gather [hbm4b:s6+s2], $0x6400, $0x38;
	[tilespmem:$0x16400] =	vst v63  }
0x1a: {  	_ =	swait.ge [sflag:s9], $0x6400  }
.Ltmp2:
0x1b: {  	[sflag:s9] =	ssyncset.done $0x0;
	(pc) =	sbr.rel .LBB2_2-.Ltmp2, $4  }
0x1c: {  	[sflag:s9] =	ssyncadd.s32 $0xFFFF9C00  }
0x1d: {  	[tilespmem:s11], [sflag:$0x1] =	stream.indirect.gather [hbm4b:s4+s10], $0x80, s2, s10, $0xb8;
	[tilespmem:$0x16400] =	vst v63  }
0x1e: {  	s21 =	simm.s32 $0x0  }
0x1f: {  	[tilespmem:s12], [sflag:$0x1] =	stream.indirect.gather [hbm4b:s4+s10], $0x80, s10, s10, $0xb8;
	[tilespmem:$0x16400] =	vst v63  }
.LBB2_26:
0x20: {  	s21 =	sadd.s32 $0x1, s21  }
0x21: {  	p0 =	sne.s32 s21, $0x32  }
.Ltmp3:
0x22: {  	_ = 	snop;
	(pc) =	sbr.rel @!p0 .LBB2_27-.Ltmp3, $4  }
0x23: {  	s22 =	sadd.s32 s3, s24  }
0x24: {  	s22 =	sshll.u32 s22, $0x4  }
0x25: {  	s22 =	sadd.s32 s5, s22  }
0x26: {  	[hbm4b:s22+s2] =	stream.linear.scatter [tilespmem:s15], [sflag:$0x5], $0x4000, $0x38;
	[tilespmem:$0x16400] =	vst v63  }
.LBB2_2:
0x27: {  	_ =	swait.ge [sflag:s13], $0x4000  }
0x28: {  	p0 =	seq.s32 s21, $0x0;
	[sflag:s13] =	ssyncset.done $0x0  }
0x29: {  	s23 =	simm.s32 @!p0 $0x4;
	[sflag:s13] =	ssyncadd.s32 $0xFFFFC000  }
0x2a: {  	_ =	swait.ge @!p0 [sflag:s23], $0x4000  }
0x2b: {  	s22 =	sshll.u32 s21, $0x9;
	[sflag:s23] =	ssyncset.done @!p0 $0x0  }
0x2c: {  	[sflag:s23] =	ssyncadd.s32 @!p0 $0xFFFFC000;
	s23 =	sor.u32 $0x100, s22  }
0x2d: {  	[tilespmem:s14], [sflag:$0x1] =	stream.indirect.gather [hbm4b:s4+s10], $0x80, s23, s10, $0xb8;
	[tilespmem:$0x16400] =	vst v63  }
0x2e: {  	v2 =	vld [tilespmem:s22+$0x0]  }
0x2f: {  	v3 =	vld [tilespmem:s22+$0x10]  }
0x30: {  	v4 =	vld [tilespmem:s22+$0x20]  }
0x31: {  	v5 =	vld [tilespmem:s22+$0x30]  }
0x32: {  	v6 =	vld [tilespmem:s22+$0x40]  }
0x33: {  	v7 =	vld [tilespmem:s22+$0x50]  }
0x34: {  	vm0 =	veq.s32 v2, $0x0;
	vm1 =	veq.s32 v3, $0x0;
	v2 =	vld [tilespmem:s22+$0x60]  }
0x35: {  	vm10 =	veq.s32 v4, $0x0;
	v3 =	vld [tilespmem:s22+$0x70];
	vm0 =	vmor vm0, vm1  }
0x36: {  	vm11 =	veq.s32 v5, $0x0;
	vm0 =	vmor vm0, vm10  }
0x37: {  	vm12 =	veq.s32 v6, $0x0;
	vm0 =	vmor vm0, vm11  }
0x38: {  	vm13 =	veq.s32 v7, $0x0;
	vm0 =	vmor vm0, vm12  }
0x39: {  	vm0 =	vmor vm0, vm13;
	vm14 =	veq.s32 v2, $0x0  }
0x3a: {  	vm15 =	veq.s32 v3, $0x0;
	vm0 =	vmor vm0, vm14  }
0x3b: {  	vm0 =	vmor vm0, vm15  }
0x3c: {  	v2 =	vmpcnt.ones.xlane vm0;
	_ =	sdelay $0x1  }
0x3d: {  	(v2sf) =	vpush v2, $0x0;
	_ =	sdelay $0xe  }
0x3e: {  	s24 =	spop (v2sf)  }
0x3f: {  	p1 =	slt.s32 s24, $0x1  }
.Ltmp4:
0x40: {  	_ = 	snop;
	(pc) =	sbr.rel @!p1 .LBB2_3-.Ltmp4, $2  }
0x41: {  	_ =	sdelay $0x2  }
0x42: {  	s24 =	simm.s32 $0x0  }
.LBB2_8:
0x43: {  	s24 =	sshll.u32 s21, $0x10  }
0x44: {  	s24 =	sadd.s32 s7, s24  }
0x45: {  	s24 =	sshrl.u32 s24, $0x3  }
0x46: {  	s24 =	sadd.s32 s5, s24  }
0x47: {  	[hbm4b:s24+s2] =	stream.linear.scatter [tilespmem:s11], [sflag:$0x2], $0x4000, $0x38;
	[tilespmem:$0x16400] =	vst v63  }
0x48: {  	_ =	swait.ge [sflag:s13], $0x4000  }
0x49: {  	[sflag:s13] =	ssyncset.done $0x0  }
0x4a: {  	s24 =	simm.s32 @!p0 $0x5;
	[sflag:s13] =	ssyncadd.s32 $0xFFFFC000  }
0x4b: {  	_ =	swait.ge @!p0 [sflag:s24], $0x4000  }
0x4c: {  	[sflag:s24] =	ssyncset.done @!p0 $0x0  }
0x4d: {  	s25 =	sor.u32 $0x80, s22;
	[sflag:s24] =	ssyncadd.s32 @!p0 $0xFFFFC000;
	s24 =	sor.u32 $0x180, s22  }
0x4e: {  	[tilespmem:s15], [sflag:$0x1] =	stream.indirect.gather [hbm4b:s4+s10], $0x80, s24, s10, $0xb8;
	[tilespmem:$0x16400] =	vst v63  }
0x4f: {  	v2 =	vld [tilespmem:s25+$0x0]  }
0x50: {  	v3 =	vld [tilespmem:s22+$0x90]  }
0x51: {  	v4 =	vld [tilespmem:s22+$0xA0]  }
0x52: {  	v5 =	vld [tilespmem:s22+$0xB0]  }
0x53: {  	v6 =	vld [tilespmem:s22+$0xC0]  }
0x54: {  	v7 =	vld [tilespmem:s22+$0xD0]  }
0x55: {  	vm0 =	veq.s32 v2, $0x0;
	vm1 =	veq.s32 v3, $0x0;
	v2 =	vld [tilespmem:s22+$0xE0]  }
0x56: {  	vm10 =	veq.s32 v4, $0x0;
	v3 =	vld [tilespmem:s22+$0xF0];
	vm0 =	vmor vm0, vm1  }
0x57: {  	vm11 =	veq.s32 v5, $0x0;
	vm0 =	vmor vm0, vm10  }
0x58: {  	vm12 =	veq.s32 v6, $0x0;
	vm0 =	vmor vm0, vm11  }
0x59: {  	vm13 =	veq.s32 v7, $0x0;
	vm0 =	vmor vm0, vm12  }
0x5a: {  	vm0 =	vmor vm0, vm13;
	vm14 =	veq.s32 v2, $0x0  }
0x5b: {  	vm15 =	veq.s32 v3, $0x0;
	vm0 =	vmor vm0, vm14  }
0x5c: {  	vm0 =	vmor vm0, vm15  }
0x5d: {  	v2 =	vmpcnt.ones.xlane vm0;
	_ =	sdelay $0x1  }
0x5e: {  	(v2sf) =	vpush v2, $0x0;
	_ =	sdelay $0xe  }
0x5f: {  	s26 =	spop (v2sf)  }
0x60: {  	p0 =	slt.s32 s26, $0x1  }
.Ltmp5:
0x61: {  	_ = 	snop;
	(pc) =	sbr.rel @!p0 .LBB2_9-.Ltmp5, $2  }
0x62: {  	_ =	sdelay $0x2  }
0x63: {  	s26 =	simm.s32 $0x0  }
.LBB2_14:
0x64: {  	s25 =	sadd.s32 s3, s25  }
0x65: {  	s25 =	sshll.u32 s25, $0x4  }
0x66: {  	s25 =	sadd.s32 s5, s25  }
0x67: {  	[hbm4b:s25+s2] =	stream.linear.scatter [tilespmem:s12], [sflag:$0x3], $0x4000, $0x38;
	[tilespmem:$0x16400] =	vst v63  }
0x68: {  	_ =	swait.ge [sflag:s13], $0x4000  }
0x69: {  	p0 =	seq.s32 s21, $0x31;
	[sflag:s13] =	ssyncset.done $0x0  }
0x6a: {  	s25 =	simm.s32 @!p0 $0x2;
	[sflag:s13] =	ssyncadd.s32 $0xFFFFC000  }
0x6b: {  	_ =	swait.ge @!p0 [sflag:s25], $0x4000  }
0x6c: {  	s26 =	sshll.u32 @!p0 s21, $0x9;
	[sflag:s25] =	ssyncset.done @!p0 $0x0  }
0x6d: {  	[sflag:s25] =	ssyncadd.s32 @!p0 $0xFFFFC000;
	s25 =	sand.u32 @!p0 $0x3FFFFE00, s26  }
0x6e: {  	s29 =	simm.s32 @!p0 $0x6400;
	s26 =	simm.s32 @!p0 $0x80;
	s28 =	sadd.s32 @!p0 $0x200, s25  }
0x6f: {  	[tilespmem:s29], [sflag:$0x1] =	stream.indirect.gather @!p0 [hbm4b:s4+s26], $0x80, s28, s26, $0xb8;
	[tilespmem:$0x16400] =	vst v63  }
0x70: {  	v2 =	vld [tilespmem:s23+$0x0]  }
0x71: {  	v3 =	vld [tilespmem:s22+$0x110]  }
0x72: {  	v4 =	vld [tilespmem:s22+$0x120]  }
0x73: {  	v5 =	vld [tilespmem:s22+$0x130]  }
0x74: {  	v6 =	vld [tilespmem:s22+$0x140]  }
0x75: {  	v7 =	vld [tilespmem:s22+$0x150]  }
0x76: {  	vm0 =	veq.s32 v2, $0x0;
	vm1 =	veq.s32 v3, $0x0;
	v2 =	vld [tilespmem:s22+$0x160]  }
0x77: {  	vm10 =	veq.s32 v4, $0x0;
	v3 =	vld [tilespmem:s22+$0x170];
	vm0 =	vmor vm0, vm1  }
0x78: {  	vm11 =	veq.s32 v5, $0x0;
	vm0 =	vmor vm0, vm10  }
0x79: {  	vm12 =	veq.s32 v6, $0x0;
	vm0 =	vmor vm0, vm11  }
0x7a: {  	vm13 =	veq.s32 v7, $0x0;
	vm0 =	vmor vm0, vm12  }
0x7b: {  	vm0 =	vmor vm0, vm13;
	vm14 =	veq.s32 v2, $0x0  }
0x7c: {  	vm15 =	veq.s32 v3, $0x0;
	vm0 =	vmor vm0, vm14  }
0x7d: {  	vm0 =	vmor vm0, vm15  }
0x7e: {  	v2 =	vmpcnt.ones.xlane vm0;
	_ =	sdelay $0x1  }
0x7f: {  	(v2sf) =	vpush v2, $0x0;
	_ =	sdelay $0xe  }
0x80: {  	s28 =	spop (v2sf)  }
0x81: {  	p1 =	slt.s32 s28, $0x1  }
.Ltmp6:
0x82: {  	_ = 	snop;
	(pc) =	sbr.rel @!p1 .LBB2_15-.Ltmp6, $2  }
0x83: {  	_ =	sdelay $0x2  }
0x84: {  	s28 =	simm.s32 $0x0  }
.LBB2_20:
0x85: {  	s23 =	sadd.s32 s3, s23  }
0x86: {  	s23 =	sshll.u32 s23, $0x4  }
0x87: {  	s23 =	sadd.s32 s5, s23  }
0x88: {  	[hbm4b:s23+s2] =	stream.linear.scatter [tilespmem:s14], [sflag:$0x4], $0x4000, $0x38;
	[tilespmem:$0x16400] =	vst v63  }
0x89: {  	_ =	swait.ge [sflag:s13], $0x4000  }
0x8a: {  	[sflag:s13] =	ssyncset.done $0x0  }
0x8b: {  	s23 =	simm.s32 @!p0 $0x3;
	[sflag:s13] =	ssyncadd.s32 $0xFFFFC000  }
0x8c: {  	_ =	swait.ge @!p0 [sflag:s23], $0x4000  }
0x8d: {  	[sflag:s23] =	ssyncset.done @!p0 $0x0  }
0x8e: {  	[sflag:s23] =	ssyncadd.s32 @!p0 $0xFFFFC000;
	s23 =	sadd.s32 @!p0 $0x280, s25;
	s25 =	simm.s32 @!p0 $0xA400  }
0x8f: {  	[tilespmem:s25], [sflag:$0x1] =	stream.indirect.gather @!p0 [hbm4b:s4+s26], $0x80, s23, s26, $0xb8;
	[tilespmem:$0x16400] =	vst v63  }
0x90: {  	v2 =	vld [tilespmem:s24+$0x0]  }
0x91: {  	v3 =	vld [tilespmem:s22+$0x190]  }
0x92: {  	v4 =	vld [tilespmem:s22+$0x1A0]  }
0x93: {  	v5 =	vld [tilespmem:s22+$0x1B0]  }
0x94: {  	v6 =	vld [tilespmem:s22+$0x1C0]  }
0x95: {  	v7 =	vld [tilespmem:s22+$0x1D0]  }
0x96: {  	vm0 =	veq.s32 v2, $0x0;
	vm1 =	veq.s32 v3, $0x0;
	v2 =	vld [tilespmem:s22+$0x1E0]  }
0x97: {  	vm10 =	veq.s32 v4, $0x0;
	v3 =	vld [tilespmem:s22+$0x1F0];
	vm0 =	vmor vm0, vm1  }
0x98: {  	vm11 =	veq.s32 v5, $0x0;
	vm0 =	vmor vm0, vm10  }
0x99: {  	vm12 =	veq.s32 v6, $0x0;
	vm0 =	vmor vm0, vm11  }
0x9a: {  	vm13 =	veq.s32 v7, $0x0;
	vm0 =	vmor vm0, vm12  }
0x9b: {  	vm0 =	vmor vm0, vm13;
	vm14 =	veq.s32 v2, $0x0  }
0x9c: {  	vm15 =	veq.s32 v3, $0x0;
	vm0 =	vmor vm0, vm14  }
0x9d: {  	vm0 =	vmor vm0, vm15  }
0x9e: {  	v2 =	vmpcnt.ones.xlane vm0;
	_ =	sdelay $0x1  }
0x9f: {  	(v2sf) =	vpush v2, $0x0;
	_ =	sdelay $0xe  }
0xa0: {  	s31 =	spop (v2sf)  }
0xa1: {  	p0 =	slt.s32 s31, $0x1  }
.Ltmp7:
0xa2: {  	_ = 	snop;
	(pc) =	sbr.rel @!p0 .LBB2_21-.Ltmp7, $4  }
.Ltmp8:
0xa3: {  	_ = 	snop;
	(pc) =	sbr.rel @p0 .LBB2_26-.Ltmp8, $4  }
0xa4: {  	_ = 	snop  }
0xa5: {  	_ = 	snop  }
0xa6: {  	s22 =	simm.s32 $0x0  }
0xa7: {  	_ = 	snop  }
.LBB2_7:
0xa8: {  	s24 =	sadd.s32 $0x1, s24  }
0xa9: {  	p1 =	sne.s32 s24, $0x8  }
.Ltmp9:
0xaa: {  	_ = 	snop;
	(pc) =	sbr.rel @!p1 .LBB2_8-.Ltmp9, $1  }
0xab: {  	_ =	sdelay $0x3  }
.LBB2_3:
0xac: {  	s25 =	sshll.u32 s24, $0x4  }
0xad: {  	s26 =	sadd.s32 s25, s22  }
0xae: {  	v2 =	vld [tilespmem:s26+$0x0];
	_ =	sdelay $0x4  }
0xaf: {  	vm0 =	veq.s32 v2, $0x0  }
0xb0: {  	v2 =	vmpcnt.ones.xlane vm0;
	_ =	sdelay $0x1  }
0xb1: {  	(v2sf) =	vpush v2, $0x0;
	_ =	sdelay $0xe  }
0xb2: {  	s31 =	spop (v2sf)  }
0xb3: {  	p1 =	slt.s32 s31, $0x1  }
.Ltmp10:
0xb4: {  	_ = 	snop;
	(pc) =	sbr.rel @p1 .LBB2_7-.Ltmp10, $1  }
0xb5: {  	_ =	sdelay $0x3  }
0xb6: {  	s26 =	simm.s32 $0x0  }
0xb7: {  	v2 =	vmov s26  }
0xb8: {  	v3 =	vmov s25;
	v2 =	vand.u32 $0x7F, v2  }
0xb9: {  	v3 =	vshll.u32 v3, $0x7;
	v4 =	vbroadcast v2, $0x0  }
0xba: {  	v2 =	vor.u32 v0, v3  }
0xbb: {  	s25 =	simm.s32 $0x1;
	v3 =	vor.u32 v2, v4  }
.LBB2_5:
0xbc: {  	p1 =	sne.s32 s25, $0x3F  }
.Ltmp11:
0xbd: {  	v4 =	vmov s25;
	s25 =	sadd.s32 $0x1, s25;
	(pc) =	sbr.rel @p1 .LBB2_5-.Ltmp11, $4  }
0xbe: {  	v4 =	vand.u32 $0x7F, v4  }
0xbf: {  	v4 =	vbroadcast v4, $0x0  }
0xc0: {  	[tilespmem:v3+s11+$0x0] =	vst.idx.msk vm0, v1  }
0xc1: {  	v3 =	vor.u32 v2, v4  }
0xc2: {  	_ = 	snop  }
.Ltmp12:
0xc3: {  	_ = 	snop;
	(pc) =	sbr.rel .LBB2_7-.Ltmp12, $2  }
0xc4: {  	_ =	sdelay $0x2  }
0xc5: {  	[tilespmem:v3+s11+$0x0] =	vst.idx.msk vm0, v1  }
.LBB2_13:
0xc6: {  	s26 =	sadd.s32 $0x1, s26  }
0xc7: {  	p0 =	sne.s32 s26, $0x8  }
.Ltmp13:
0xc8: {  	_ = 	snop;
	(pc) =	sbr.rel @!p0 .LBB2_14-.Ltmp13, $1  }
0xc9: {  	_ =	sdelay $0x3  }
.LBB2_9:
0xca: {  	s28 =	sshll.u32 s26, $0x4  }
0xcb: {  	s29 =	sadd.s32 s28, s25  }
0xcc: {  	v2 =	vld [tilespmem:s29+$0x0];
	_ =	sdelay $0x4  }
0xcd: {  	vm0 =	veq.s32 v2, $0x0  }
0xce: {  	v2 =	vmpcnt.ones.xlane vm0;
	_ =	sdelay $0x1  }
0xcf: {  	(v2sf) =	vpush v2, $0x0;
	_ =	sdelay $0xe  }
0xd0: {  	s31 =	spop (v2sf)  }
0xd1: {  	p0 =	slt.s32 s31, $0x1  }
.Ltmp14:
0xd2: {  	_ = 	snop;
	(pc) =	sbr.rel @p0 .LBB2_13-.Ltmp14, $1  }
0xd3: {  	_ =	sdelay $0x3  }
0xd4: {  	s29 =	simm.s32 $0x0  }
0xd5: {  	v2 =	vmov s29  }
0xd6: {  	v3 =	vmov s28;
	v2 =	vand.u32 $0x7F, v2  }
0xd7: {  	v3 =	vshll.u32 v3, $0x7;
	v4 =	vbroadcast v2, $0x0  }
0xd8: {  	v2 =	vor.u32 v0, v3  }
0xd9: {  	s28 =	simm.s32 $0x1;
	v3 =	vor.u32 v2, v4  }
.LBB2_11:
0xda: {  	p0 =	sne.s32 s28, $0x3F  }
.Ltmp15:
0xdb: {  	v4 =	vmov s28;
	s28 =	sadd.s32 $0x1, s28;
	(pc) =	sbr.rel @p0 .LBB2_11-.Ltmp15, $4  }
0xdc: {  	v4 =	vand.u32 $0x7F, v4  }
0xdd: {  	v4 =	vbroadcast v4, $0x0  }
0xde: {  	[tilespmem:v3+s12+$0x0] =	vst.idx.msk vm0, v1  }
0xdf: {  	v3 =	vor.u32 v2, v4  }
0xe0: {  	_ = 	snop  }
.Ltmp16:
0xe1: {  	_ = 	snop;
	(pc) =	sbr.rel .LBB2_13-.Ltmp16, $2  }
0xe2: {  	_ =	sdelay $0x2  }
0xe3: {  	[tilespmem:v3+s12+$0x0] =	vst.idx.msk vm0, v1  }
.LBB2_19:
0xe4: {  	s28 =	sadd.s32 $0x1, s28  }
0xe5: {  	p1 =	sne.s32 s28, $0x8  }
.Ltmp17:
0xe6: {  	_ = 	snop;
	(pc) =	sbr.rel @!p1 .LBB2_20-.Ltmp17, $1  }
0xe7: {  	_ =	sdelay $0x3  }
.LBB2_15:
0xe8: {  	s29 =	sshll.u32 s28, $0x4  }
0xe9: {  	s30 =	sadd.s32 s29, s23  }
0xea: {  	v2 =	vld [tilespmem:s30+$0x0];
	_ =	sdelay $0x4  }
0xeb: {  	vm0 =	veq.s32 v2, $0x0  }
0xec: {  	v2 =	vmpcnt.ones.xlane vm0;
	_ =	sdelay $0x1  }
0xed: {  	(v2sf) =	vpush v2, $0x0;
	_ =	sdelay $0xe  }
0xee: {  	s31 =	spop (v2sf)  }
0xef: {  	p1 =	slt.s32 s31, $0x1  }
.Ltmp18:
0xf0: {  	_ = 	snop;
	(pc) =	sbr.rel @p1 .LBB2_19-.Ltmp18, $1  }
0xf1: {  	_ =	sdelay $0x3  }
0xf2: {  	s30 =	simm.s32 $0x0  }
0xf3: {  	v2 =	vmov s30  }
0xf4: {  	v3 =	vmov s29;
	v2 =	vand.u32 $0x7F, v2  }
0xf5: {  	v3 =	vshll.u32 v3, $0x7;
	v4 =	vbroadcast v2, $0x0  }
0xf6: {  	v2 =	vor.u32 v0, v3  }
0xf7: {  	s29 =	simm.s32 $0x1;
	v3 =	vor.u32 v2, v4  }
.LBB2_17:
0xf8: {  	p1 =	sne.s32 s29, $0x3F  }
.Ltmp19:
0xf9: {  	v4 =	vmov s29;
	s29 =	sadd.s32 $0x1, s29;
	(pc) =	sbr.rel @p1 .LBB2_17-.Ltmp19, $4  }
0xfa: {  	v4 =	vand.u32 $0x7F, v4  }
0xfb: {  	v4 =	vbroadcast v4, $0x0  }
0xfc: {  	[tilespmem:v3+s14+$0x0] =	vst.idx.msk vm0, v1  }
0xfd: {  	v3 =	vor.u32 v2, v4  }
0xfe: {  	_ = 	snop  }
.Ltmp20:
0xff: {  	_ = 	snop;
	(pc) =	sbr.rel .LBB2_19-.Ltmp20, $2  }
0x100: {  	_ =	sdelay $0x2  }
0x101: {  	[tilespmem:v3+s14+$0x0] =	vst.idx.msk vm0, v1  }
.LBB2_25:
0x102: {  	s22 =	sadd.s32 $0x1, s22  }
0x103: {  	p0 =	sne.s32 s22, $0x8  }
.Ltmp21:
0x104: {  	_ = 	snop;
	(pc) =	sbr.rel @!p0 .LBB2_26-.Ltmp21, $1  }
0x105: {  	_ =	sdelay $0x3  }
.LBB2_21:
0x106: {  	s23 =	sshll.u32 s22, $0x4  }
0x107: {  	s25 =	sadd.s32 s23, s24  }
0x108: {  	v2 =	vld [tilespmem:s25+$0x0];
	_ =	sdelay $0x4  }
0x109: {  	vm0 =	veq.s32 v2, $0x0  }
0x10a: {  	v2 =	vmpcnt.ones.xlane vm0;
	_ =	sdelay $0x1  }
0x10b: {  	(v2sf) =	vpush v2, $0x0;
	_ =	sdelay $0xe  }
0x10c: {  	s31 =	spop (v2sf)  }
0x10d: {  	p0 =	slt.s32 s31, $0x1  }
.Ltmp22:
0x10e: {  	_ = 	snop;
	(pc) =	sbr.rel @p0 .LBB2_25-.Ltmp22, $1  }
0x10f: {  	_ =	sdelay $0x3  }
0x110: {  	s25 =	simm.s32 $0x0  }
0x111: {  	v2 =	vmov s25  }
0x112: {  	v3 =	vmov s23;
	v2 =	vand.u32 $0x7F, v2  }
0x113: {  	v3 =	vshll.u32 v3, $0x7;
	v4 =	vbroadcast v2, $0x0  }
0x114: {  	v2 =	vor.u32 v0, v3  }
0x115: {  	s23 =	simm.s32 $0x1;
	v3 =	vor.u32 v2, v4  }
.LBB2_23:
0x116: {  	p0 =	sne.s32 s23, $0x3F  }
.Ltmp23:
0x117: {  	v4 =	vmov s23;
	s23 =	sadd.s32 $0x1, s23;
	(pc) =	sbr.rel @p0 .LBB2_23-.Ltmp23, $4  }
0x118: {  	v4 =	vand.u32 $0x7F, v4  }
0x119: {  	v4 =	vbroadcast v4, $0x0  }
0x11a: {  	[tilespmem:v3+s15+$0x0] =	vst.idx.msk vm0, v1  }
0x11b: {  	v3 =	vor.u32 v2, v4  }
0x11c: {  	_ = 	snop  }
.Ltmp24:
0x11d: {  	_ = 	snop;
	(pc) =	sbr.rel .LBB2_25-.Ltmp24, $2  }
0x11e: {  	_ =	sdelay $0x2  }
0x11f: {  	[tilespmem:v3+s15+$0x0] =	vst.idx.msk vm0, v1  }
.LBB2_28:
0x120: {  	_ =	sfence.sel $0x180000  }
0x121: {  	[bflag:$0x0] =	sbarrier.arrive $0xFFFF  }
0x122: {  	p0 =	sne.s32 s0, $0x0;
	_ =	strace $0x90000047  }
0x123: {  	s0 =	sadd.s32 @!p0 $0x100000, s1;
	[bflag:$0x2] =	sbarrier.arrive $0xFFFF  }
0x124: {  	[sflag:s0] =	ssyncadd.tile.s32 @!p0 $0x1;
	_ =	shalt  }
.Lfunc_end2:
_tile_overlayer_lowered:
.L_overlay_start_2:
0x125: {  	(tag) =	ssettag $0x2  }
0x126: {  	s0 =	rddreg [dreg:$0x0];
	s2 =	stileid.u32  }
0x127: {  	s1 =	rddreg [dreg:$0x1];
	p0 =	sne.s32 s2, $0x0  }
0x128: {  	s3 =	rddreg [dreg:$0x2];
	[bflag:$0x3] =	sbarrier.arrive $0xFFFF;
	s2 =	simm.s32 @!p0 $0x1C06  }
0x129: {  	[timem:s3], [sflag:s2] =	dma.local @!p0 [hbm:s0], s1  }
0x12a: {  	s0 =	simm.s32 @!p0 $0x6  }
0x12b: {  	_ =	swait.ge @!p0 [sflag:s0], s1  }
0x12c: {  	s1 =	ssub.s32 @!p0 $0x0, s1;
	[sflag:s0] =	ssyncset.done @!p0 $0x0  }
0x12d: {  	[sflag:s0] =	ssyncadd.s32 @!p0 s1  }
0x12e: {  	[bflag:$0x3] =	sbarrier.arrive $0xFFFF  }
0x12f: {  	_ =	shalt  }

// kernel: sparse-core-data-format-call.cloned.1.call-start
scs
called_computation_lowered:
.L_overlay_start_0:
0x0: {  	s2 =	sld [smem:$0x3FD9]  }
0x1: {  	s3 =	sld [smem:$0x3FFE];
	_ =	sdelay $0x1  }
0x2: {  	s1 =	srdreg.scid  }
0x3: {  	s0 =	sand.u32 $0x1, s1  }
0x4: {  	s18 =	sshll.u32 s0, $0xA;
	s2 =	sadd.s32 s3, s2  }
0x5: {  	s2 =	sadd.s32 s2, s18  }
0x6: {  	[smem:$0x3FC6] =	sst s2  }
0x7: {  	_ = 	snop  }
0x8: {  	s2 =	sld [smem:$0x3FD0];
	(tm) =	ssettm $0x1  }
0x9: {  	s19 =	sld [smem:$0x3FFB];
	_ =	sdelay $0x3  }
0xa: {  	_ =	strace s19  }
0xb: {  	s3 =	sld [smem:$0x3FFC];
	_ =	sdelay $0x3  }
0xc: {  	_ =	strace s3  }
0xd: {  	s3 =	sld [smem:$0x3FFD];
	_ =	sdelay $0x3  }
0xe: {  	_ =	strace s3  }
0xf: {  	_ =	strace $0x8FFFFFFF  }
0x10: {  	s20 =	sld [smem:$0x3FDB];
	_ =	sdelay $0x1  }
0x11: {  	s4 =	simm.s32 $_scs_section_size  }
0x12: {  	s5 =	simm.s32 $_size__tile_overlayer_lowered;
	s6 =	simm.s32 $_tile_overlayer_lowered  }
0x13: {  	s23 =	simm.s32 $0x1BFF;
	s22 =	sshll.u32 s6, $0x1;
	s3 =	sadd.s32 s4, s20  }
0x14: {  	s7 =	simm.s32 $0x0;
	s21 =	sshll.u32 s5, $0x1;
	s5 =	sadd.s32 s22, s3  }
0x15: {  	[timem:s7], [sflag:s23] =	dma.local [hbm:s5], s21  }
0x16: {  	_ =	swait.ge [sflag:s23], s21  }
0x17: {  	s4 =	ssub.s32 $0x0, s21;
	[sflag:s23] =	ssyncset.done $0x0  }
0x18: {  	[sflag:s23] =	ssyncadd.s32 s4;
	_ =	sdelay $0x1  }
0x19: {  	s24 =	simm.s32 $0x1B8B  }
0x1a: {  	_ =	swait.ge [sflag:s24], $0x1  }
0x1b: {  	[sflag:s24] =	ssyncset.done $0x0  }
0x1c: {  	s26 =	simm.s32 $0x1B8E;
	s25 =	sld [smem:$0x3FFE];
	[sflag:s24] =	ssyncadd.s32 $0xFFFFFFFF  }
0x1d: {  	s27 =	simm.s32 $execute0_lowered;
	[smem:$0x3FD2] =	sst s26  }
0x1e: {  	s5 =	sshll.u32 s27, $0x1;
	_ =	strace $0x80000049;
	[dreg:$0x1] =	wrdreg $0xFFFFFFFF  }
0x1f: {  	s28 =	simm.s32 $_size_execute0_lowered;
	s3 =	sadd.s32 s3, s5;
	[dreg:$0x0] =	wrdreg $0x0  }
0x20: {  	s5 =	sshll.u32 s28, $0x1;
	[dreg:$0x2] =	wrdreg s3  }
0x21: {  	[dreg:$0x3] =	wrdreg s5  }
0x22: {  	[dreg:$0x4] =	wrdreg $0xC0  }
0x23: {  	_ =	task [dreg:s7], $0x5FFFF  }
0x24: {  	[dreg:$0x1] =	wrdreg $0xFFFFFFFF  }
0x25: {  	[dreg:$0x0] =	wrdreg $0x60  }
0x26: {  	[dreg:$0x2] =	wrdreg s25  }
0x27: {  	[dreg:$0x3] =	wrdreg s2  }
0x28: {  	[dreg:$0x4] =	wrdreg $0x9  }
0x29: {  	_ =	task.clear_ibuf [dreg:s7], $0x5FFFF;
	_ =	strace $0x90000049  }
0x2a: {  	s29 =	simm.s32 $0x9;
	_ =	strace $0x8000004B  }
0x2b: {  	_ =	swait.ge [sflag:s29], $0x1  }
0x2c: {  	[sflag:s29] =	ssyncadd.s32 $0xFFFFFFFF  }
0x2d: {  	_ =	strace $0x9000004B  }
0x2e: {  	_ =	sfence  }
0x2f: {  	s30 =	sld [smem:$0x0];
	_ =	sdelay $0x2  }
0x30: {  	s31 =	sshll.u32 s1, $0xD;
	s1 =	sshrl.u32 s1, $0x2  }
0x31: {  	s3 =	sand.u32 $0x4000, s31;
	s1 =	sadd.s32 s1, s30  }
0x32: {  	s0 =	sor.u32 s3, s0;
	s1 =	sshll.u32 s1, $0x11  }
0x33: {  	s0 =	sor.u32 s1, s0  }
0x34: {  	s0 =	sadd.s32 $0x8F2B, s0  }
0x35: {  	[sflag:s0] =	ssyncadd.remote.s32 $0x1  }
0x36: {  	_ =	sfence.sel $0xFFFF  }
0x37: {  	[dreg:$0x0] =	wrdreg $0xFFFFFFFF;
	(pc) =	sbr.abs _section_cstart, $3  }
0x38: {  	[dreg:$0x1] =	wrdreg $0xFFFFFFFF  }
0x39: {  	_ =	task.clear_ibuf [dreg:s7], $0x2FFFF;
	_ =	strace $0x9FFFFFFF  }
0x3a: {  	(tm) =	ssettm $0x7FFFFFFF  }
0x3b: {  	_ =	shalt  }
tec
execute0_lowered:
.L_overlay_start_1:
0x0: {  	(tag) =	ssettag $0x1  }
0x1: {  	s0 =	srdreg.scid  }
0x2: {  	s1 =	sshll.u32 s0, $0x4  }
0x3: {  	s0 =	stileid.u32;
	s1 =	sand.u32 $0x10, s1  }
0x4: {  	s1 =	sor.u32 s0, s1  }
0x5: {  	s6 =	rddreg [dreg:$0x0];
	s4 =	simm.s32 $0x1;
	s2 =	sshll.u32 s1, $0x7  }
0x6: {  	s7 =	simm.s32 $0x2;
	s12 =	simm.s32 $0x0;
	s1 =	ssub.s32 $0x1000, s2  }
0x7: {  	s8 =	simm.s32 $0x8000;
	s13 =	simm.s32 $0x0;
	s3 =	sand.u32 $0xF80, s1  }
0x8: {  	s9 =	simm.s32 $0x0;
	s5 =	sshrl.u32 s1, $0xC;
	p0 =	sne.s32 s3, $0x0  }
.Ltmp0:
0x9: {  	s1 =	rddreg [dreg:$0x2];
	s4 =	simm.s32 @!p0 $0x0;
	(pc) =	sbr.rel .LBB1_1-.Ltmp0, $4  }
0xa: {  	s11 =	simm.s32 $0x0;
	s3 =	rddreg [dreg:$0x1];
	s5 =	sadd.s32 s4, s5  }
0xb: {  	_ =	strace $0x8000004A;
	s4 =	simm.s32 $0x1;
	s5 =	smul.u32 $0xC8, s5  }
0xc: {  	s6 =	sadd.s32 $0xA00, s6;
	s10 =	smov.u32 s2;
	[sflag:s4] =	ssyncpa.u1 $0x0  }
0xd: {  	p0 =	por $0x0, $0x0;
	[sflag:s7] =	ssyncpa.u1 $0x0;
	s7 =	sor.u32 $0x1, s5  }
.LBB1_4:
0xe: {  	s16 =	sshll.u32 s13, $0x3;
	s17 =	sand.u32 $0x78, s13  }
0xf: {  	s30 =	sand.u32 $0x7E00, s13;
	s12 =	sshll.u32 s12, $0xF;
	s16 =	sand.u32 $0xC00, s16  }
0x10: {  	[tilespmem:s15+$0x810 ss:$0x81] =	vst.msk $0xffff, v2;
	s31 =	sand.u32 $0x7, s13;
	s16 =	sor.u32 s17, s16;
	s17 =	sadd.s32 s3, s30  }
0x11: {  	[tilespmem:s15+$0x1020 ss:$0x81] =	vst.msk $0xffff, v0;
	s13 =	sshll.u32 s31, $0x12;
	s12 =	sadd.s32 s12, s17;
	s16 =	sshrl.u32 s16, $0x3  }
0x12: {  	[tilespmem:s15+$0x0 ss:$0x81] =	vst.msk $0xffff, v1;
	s13 =	sor.u32 $0x400, s13;
	s12 =	sadd.s32 s16, s12  }
0x13: {  	[hbm4b:s12+s13] =	stream.strided.scatter [tilespmem:s14], [sflag:$0x2], $0x2000, s8, s13, $0x20;
	[tilespmem:$0x8080] =	vst v63  }
.LBB1_5:
0x14: {  	s14 =	sadd.s32 $0x1, s9  }
0x15: {  	s12 =	sadd.s32 $0x1000, s10;
	s16 =	smov.u32 s10;
	p2 =	sgt.s32 s14, $0xC7  }
0x16: {  	s16 =	smov.u32 @p2 s12  }
0x17: {  	s14 =	simm.s32 @p2 $0x0;
	p2 =	sgt.s32 s16, $0xFFF  }
0x18: {  	s16 =	smov.u32 @p2 s2;
	p2 =	sne.s32 s11, s7  }
.Ltmp1:
0x19: {  	p1 =	slt.u32 s11, $0x2;
	(pc) =	sbr.rel @!p2 .LBB1_6-.Ltmp1, $4  }
0x1a: {  	s15 =	simm.s32 @!p1 $0x2  }
0x1b: {  	s13 =	smov.u32 s10;
	p0 =	por !p0, !p0;
	_ =	swait.ge @!p1 [sflag:s15], $0x2000  }
0x1c: {  	s12 =	smov.u32 s9;
	[sflag:s15] =	ssyncset.done @!p1 $0x0;
	s9 =	smov.u32 s14  }
0x1d: {  	s11 =	sadd.s32 $0x1, s11;
	[sflag:s15] =	ssyncadd.s32 @!p1 $0xFFFFE000;
	s10 =	smov.u32 s16  }
.LBB1_1:
0x1e: {  	p1 =	sge.u32 s11, s5  }
0x1f: {  	s14 =	sand.u32 @!p1 $0x1FFFFFF, s9  }
0x20: {  	s15 =	smulhi.u32 @!p1 $0x147AE15, s14;
	_ =	sdelay $0x1  }
0x21: {  	s15 =	smul.u32 @!p1 $0xC8, s15  }
0x22: {  	s16 =	sxor.u32 @!p1 $0xFFFFFFFF, s11;
	s17 =	smul.u32 @!p1 $0xC80, s10  }
0x23: {  	s31 =	sadd.s32 $0xFFFFFFFF, s11;
	s16 =	sshll.u32 @!p1 s16, $0xD;
	s14 =	ssub.s32 @!p1 s14, s15  }
0x24: {  	s15 =	sand.u32 @!p1 $0x2000, s16;
	s16 =	sadd.s32 @!p1 s6, s17;
	s14 =	sshll.u32 @!p1 s14, $0x4  }
0x25: {  	s17 =	simm.s32 @!p1 $0x6400;
	s14 =	sadd.s32 @!p1 s14, s16;
	s16 =	simm.s32 @!p1 $0x40  }
0x26: {  	[tilespmem:s15], [sflag:$0x1] =	stream.strided.gather @!p1 [hbm4b:s14+s16], $0x2000, s17, s16, $0x38;
	[tilespmem:$0x8080] =	vst v63  }
0x27: {  	p1 =	sge.u32 s31, s5  }
.Ltmp2:
0x28: {  	_ = 	snop;
	(pc) =	sbr.rel @p1 .LBB1_5-.Ltmp2, $1  }
0x29: {  	_ =	sdelay $0x3  }
0x2a: {  	s14 =	simm.s32 $0x1  }
0x2b: {  	_ =	swait.ge [sflag:s4], $0x2000;
	s14 =	simm.s32 @!p0 $0x0  }
0x2c: {  	[sflag:s4] =	ssyncset.done $0x0;
	s15 =	sshll.u32 s14, $0xD  }
0x2d: {  	[sflag:s4] =	ssyncadd.s32 $0xFFFFE000;
	s18 =	sor.u32 $0x20, s15  }
0x2e: {  	s14 =	smul.u32 $0x8100, s14;
	v3 =	vld [tilespmem:s18+$0x10]  }
0x2f: {  	s30 =	sand.u32 $0x1, s11;
	v2 =	vld [tilespmem:s18+$0xFFFFFFF0]  }
0x30: {  	s15 =	smul.u32 $0x8100, s30;
	s14 =	sshrl.u32 s14, $0x2;
	v0 =	vld [tilespmem:s18+$0x0]  }
0x31: {  	v1 =	vld [tilespmem:s18+$0xFFFFFFE0];
	s16 =	sor.u32 $0x4000, s14  }
0x32: {  	s31 =	sshrl.u32 s15, $0x2;
	s15 =	sadd.s32 $0x0, s16  }
0x33: {  	s17 =	simm.s32 $0x4;
	s18 =	sadd.s32 $0x40, s18;
	s14 =	sor.u32 $0x4000, s31;
	[tilespmem:s15+$0x1830 ss:$0x81] =	vst.msk $0xffff, v3  }
.LBB1_3:
0x34: {  	v3 =	vld [tilespmem:s18+$0x10];
	p1 =	sne.s32 s17, $0x1FC;
	[tilespmem:s15+$0x810 ss:$0x81] =	vst.msk $0xffff, v2;
	s19 =	smov.u32 s17;
	s17 =	sadd.s32 $0x4, s17  }
.Ltmp3:
0x35: {  	v2 =	vld [tilespmem:s18+$0xFFFFFFF0];
	[tilespmem:s15+$0x1020 ss:$0x81] =	vst.msk $0xffff, v0;
	(pc) =	sbr.rel @p1 .LBB1_3-.Ltmp3, $4  }
0x36: {  	v0 =	vld [tilespmem:s18+$0x0];
	[tilespmem:s15+$0x0 ss:$0x81] =	vst.msk $0xffff, v1  }
0x37: {  	s15 =	sshra.s32 s19, $0x2;
	v1 =	vld [tilespmem:s18+$0xFFFFFFE0]  }
0x38: {  	s15 =	sadd.s32 s15, s16  }
0x39: {  	s18 =	sadd.s32 $0x40, s18;
	[tilespmem:s15+$0x1830 ss:$0x81] =	vst.msk $0xffff, v3  }
.Ltmp4:
0x3a: {  	_ = 	snop;
	(pc) =	sbr.rel .LBB1_4-.Ltmp4, $1  }
0x3b: {  	_ =	sdelay $0x3  }
.LBB1_6:
0x3c: {  	_ =	sfence.sel $0x180000  }
0x3d: {  	s2 =	simm.s32 $0x1;
	[bflag:$0x0] =	sbarrier.arrive $0xFFFF  }
0x3e: {  	s31 =	simm.s32 $0x2;
	[sflag:s2] =	ssyncpa.u1 $0x1  }
0x3f: {  	[sflag:s31] =	ssyncpa.u1 $0x1  }
0x40: {  	p0 =	sne.s32 s0, $0x0;
	_ =	strace $0x9000004A  }
0x41: {  	s0 =	sadd.s32 @!p0 $0x100000, s1;
	[bflag:$0x2] =	sbarrier.arrive $0xFFFF  }
0x42: {  	[sflag:s0] =	ssyncadd.tile.s32 @!p0 $0x1;
	_ =	shalt  }
.Lfunc_end1:
_tile_overlayer_lowered:
.L_overlay_start_2:
0x43: {  	(tag) =	ssettag $0x2  }
0x44: {  	s0 =	rddreg [dreg:$0x0];
	s2 =	stileid.u32  }
0x45: {  	s1 =	rddreg [dreg:$0x1];
	p0 =	sne.s32 s2, $0x0  }
0x46: {  	s3 =	rddreg [dreg:$0x2];
	[bflag:$0x3] =	sbarrier.arrive $0xFFFF;
	s2 =	simm.s32 @!p0 $0x1C01  }
0x47: {  	[timem:s3], [sflag:s2] =	dma.local @!p0 [hbm:s0], s1  }
0x48: {  	s0 =	simm.s32 @!p0 $0x1  }
0x49: {  	_ =	swait.ge @!p0 [sflag:s0], s1  }
0x4a: {  	s1 =	ssub.s32 @!p0 $0x0, s1;
	[sflag:s0] =	ssyncset.done @!p0 $0x0  }
0x4b: {  	[sflag:s0] =	ssyncadd.s32 @!p0 s1  }
0x4c: {  	[bflag:$0x3] =	sbarrier.arrive $0xFFFF  }
0x4d: {  	_ =	shalt  }

</sc_bundles>
